<compile_context>
chip_gen: v7x
topology: tpu7x:2x2x1
jax: 0.10.2.dev20260603
libtpu: 0.0.44.dev20260713+nightly
codegen_flags: <defaults>
</compile_context>

<pallas_src>
import functools

import jax
import jax.numpy as jnp
from jax import lax
from jax.experimental import pallas as pl
from jax.experimental.pallas import tpu as pltpu
from jax.experimental.pallas import tpu_sc as plsc

N_Q = 16384
N_T = 8192
D_F = 512


_TQ = 2048


_WIN = N_T // 2
_LANES = 128
_NSLICE = _WIN // _LANES


def _window_argmin(qsq, qtn, tsq, base, lane_iota):
    def dslice(j):
        lo = base + j * _LANES
        return (qsq + qtn[:, lo:lo + _LANES]) + tsq[:, lo:lo + _LANES]

    val = dslice(0)
    idxv = jnp.zeros(val.shape, jnp.float32)
    for j in range(1, _NSLICE):
        dj = dslice(j)
        mask = dj < val
        val = jnp.where(mask, dj, val)
        idxv = jnp.where(mask, jnp.float32(j), idxv)
    gidx = idxv * jnp.float32(_LANES) + lane_iota
    m = jnp.min(val, axis=-1, keepdims=True)
    i = jnp.min(jnp.where(val == m, gidx, jnp.float32(1e9)), axis=-1)
    return m, i


def _argmin_body(q_ref, tt_ref, idx_ref):
    q = q_ref[...]
    tt = tt_ref[...]
    qb = (q * -2.0).astype(jnp.bfloat16)
    ttb = tt.astype(jnp.bfloat16)
    qtn = lax.dot_general(qb, ttb, (((1,), (0,)), ((), ())),
                          preferred_element_type=jnp.float32)
    qsq = (q[:, 0:1] * q[:, 0:1] + q[:, 2:3] * q[:, 2:3]) + q[:, 1:2] * q[:, 1:2]
    tsq = (tt[0:1, :] * tt[0:1, :] + tt[2:3, :] * tt[2:3, :]) + tt[1:2, :] * tt[1:2, :]
    lane_iota = lax.broadcasted_iota(
        jnp.int32, (q.shape[0], _LANES), 1).astype(jnp.float32)
    m1, i1 = _window_argmin(qsq, qtn, tsq, 0, lane_iota)
    m2, i2 = _window_argmin(qsq, qtn, tsq, _WIN, lane_iota)
    m1b = m1.astype(jnp.bfloat16).astype(jnp.float32)
    use2 = (m2 < m1b)[:, 0]
    idx = jnp.where(use2, i2 + jnp.float32(_WIN), i1).astype(jnp.int32)
    idx_ref[...] = idx[:, None]


_argmin_call = pl.pallas_call(
    _argmin_body,
    grid=(N_Q // _TQ,),
    in_specs=[
        pl.BlockSpec((_TQ, 3), lambda i: (i, 0)),
        pl.BlockSpec((3, N_T), lambda i: (0, 0)),
    ],
    out_specs=pl.BlockSpec((_TQ, 1), lambda i: (i, 0)),
    out_shape=jax.ShapeDtypeStruct((N_Q, 1), jnp.int32),
)


_NC, _NS = 2, 16
_NW = _NC * _NS
_BPW = N_Q // _NW
_CH = 128
_CHUNKS = _BPW // _CH


def _gather_body(table_hbm, idx_hbm, out_hbm, idx_v, rows_v, sem):
    wid = lax.axis_index("s") * _NC + lax.axis_index("c")
    pltpu.sync_copy(idx_hbm.at[wid], idx_v)
    for c in range(_CHUNKS):
        pltpu.async_copy(table_hbm.at[idx_v.at[c]], rows_v, sem).wait()
        pltpu.sync_copy(rows_v, out_hbm.at[pl.ds(wid * _BPW + c * _CH, _CH)])


@functools.cache
def _gather_call():
    return pl.kernel(
        _gather_body,
        out_type=jax.ShapeDtypeStruct((N_Q, D_F), jnp.float32),
        mesh=plsc.VectorSubcoreMesh(core_axis_name="c", subcore_axis_name="s"),
        scratch_types=[
            pltpu.VMEM((_CHUNKS, _CH), jnp.int32),
            pltpu.VMEM((_CH, D_F), jnp.float32),
            pltpu.SemaphoreType.DMA,
        ],
    )


def kernel(query_points, target_points, target_features):
    tt = target_points.T
    idx = _argmin_call(query_points, tt)
    idx3 = idx.reshape(_NW, _CHUNKS, _CH)
    query_features = _gather_call()(target_features, idx3)
    return (query_points, query_features)

# --- scband reference (transcript-rebuilt; emitter-appended) ---
"""Pipeline reference for scband-upsample-block-66451734004054 (READ-ONLY COPY).

The authoritative reference and input builder live on the scoring server;
editing this copy changes nothing except your own understanding.
"""

import jax, jax.numpy as jnp
import numpy as np


def setup_inputs(seed: int = 0) -> dict:
    key = jax.random.key(seed)
    k1, k2, k3 = jax.random.split(key, 3)
    query_points = jax.random.normal(k1, (16384, 3), dtype=jnp.float32)
    target_points = jax.random.normal(k2, (8192, 3), dtype=jnp.float32)
    target_features = jax.random.normal(k3, (8192, 512), dtype=jnp.float32)
    return {
        "query_points": query_points,
        "target_points": target_points,
        "target_features": target_features,
    }


def reference(query_points, target_points, target_features):
    # brute-force k=1 nearest neighbor (keops knn with k=1, no masks)
    # squared euclidean distances [n, m]
    q_sq = jnp.sum(query_points * query_points, axis=-1, keepdims=True)          # [n,1]
    t_sq = jnp.sum(target_points * target_points, axis=-1)[None, :]              # [1,m]
    d = q_sq - 2.0 * (query_points @ target_points.T) + t_sq                      # [n,m]
    idx = jnp.argmin(d, axis=-1)                                                  # [n]
    # torch.gather(target_features, -2, idx.expand([n, f_dim])) == row gather
    query_features = jnp.take(target_features, idx, axis=0)                       # [n,f_dim]
    return (query_points, query_features)

if __name__ == "__main__":
    import jax
    _d = setup_inputs()
    print(jax.jit(kernel)(*tuple(_d.values())))

</pallas_src>

<mosaic_0001>
#map = affine_map<(d0, d1) -> (0, 0)>
#map1 = affine_map<(d0, d1) -> (0, 0, 0)>
module attributes {stable_mosaic.version = 14 : i64} {
  func.func @_gather_body(%arg0: i32, %arg1: i32, %arg2: memref<8192x512xf32, #tpu.memory_space<hbm>>, %arg3: memref<32x4x128xi32, #tpu.memory_space<hbm>>, %arg4: memref<16384x512xf32, #tpu.memory_space<hbm>>, %arg5: memref<4x128xi32, #tpu.memory_space<vmem>>, %arg6: memref<128x512xf32, #tpu.memory_space<vmem>>, %arg7: memref<!tpu.dma_semaphore, #tpu.memory_space<semaphore_mem>>) attributes {dimension_semantics = [#tpu.dimension_semantics<core_parallel>, #tpu.dimension_semantics<subcore_parallel>], iteration_bounds = array<i64: 2, 16>, scalar_prefetch = 0 : i64, scratch_operands = 3 : i64, tpu.core_type = #tpu.core_type<sc_vector_subcore>, window_params = [{transform_indices = #map}, {transform_indices = #map1}, {transform_indices = #map}]} {
    %mul3A = arith.constant 2 : i32
    %mul3A_0 = arith.muli %arg1, %mul3A : i32
    %add3A = arith.addi %mul3A_0, %arg0 : i32
    "tpu.region"() ({
      %run_scoped3A = tpu.sem_alloc : memref<!tpu.dma_semaphore, #tpu.memory_space<semaphore_mem>>
      %dma_start3A_71 = arith.constant 0 : i32
      %dma_start3A_72 = arith.constant 0 : i32
      %dma_start3A_73 = tpu.memref_slice %arg3[%add3A, %dma_start3A_71, %dma_start3A_72] : memref<32x4x128xi32, #tpu.memory_space<hbm>> -> memref<1x4x128xi32, #tpu.memory_space<hbm>>
      %dma_start3A_74 = tpu.memref_squeeze %dma_start3A_73 : memref<1x4x128xi32, #tpu.memory_space<hbm>> -> memref<4x128xi32, #tpu.memory_space<hbm>>
      %dma_start3A_75 = arith.constant 0 : i32
      %dma_start3A_76 = arith.constant 0 : i32
      %dma_start3A_77 = tpu.memref_slice %arg3[%add3A, %dma_start3A_75, %dma_start3A_76] : memref<32x4x128xi32, #tpu.memory_space<hbm>> -> memref<1x4x128xi32, #tpu.memory_space<hbm>>
      %dma_start3A_78 = tpu.memref_squeeze %dma_start3A_77 : memref<1x4x128xi32, #tpu.memory_space<hbm>> -> memref<4x128xi32, #tpu.memory_space<hbm>>
      tpu.enqueue_dma source(%dma_start3A_78 : memref<4x128xi32, #tpu.memory_space<hbm>>) target(%arg5 : memref<4x128xi32, #tpu.memory_space<vmem>>) target_semaphore(%run_scoped3A : memref<!tpu.dma_semaphore, #tpu.memory_space<semaphore_mem>>)
      %dma_wait3A_79 = arith.constant 0 : i32
      %dma_wait3A_80 = arith.constant 0 : i32
      %dma_wait3A_81 = tpu.memref_slice %arg3[%add3A, %dma_wait3A_79, %dma_wait3A_80] : memref<32x4x128xi32, #tpu.memory_space<hbm>> -> memref<1x4x128xi32, #tpu.memory_space<hbm>>
      %dma_wait3A_82 = tpu.memref_squeeze %dma_wait3A_81 : memref<1x4x128xi32, #tpu.memory_space<hbm>> -> memref<4x128xi32, #tpu.memory_space<hbm>>
      %dma_wait3A_83 = arith.constant 0 : i32
      %dma_wait3A_84 = arith.constant 0 : i32
      %dma_wait3A_85 = tpu.memref_slice %arg3[%add3A, %dma_wait3A_83, %dma_wait3A_84] : memref<32x4x128xi32, #tpu.memory_space<hbm>> -> memref<1x4x128xi32, #tpu.memory_space<hbm>>
      %dma_wait3A_86 = tpu.memref_squeeze %dma_wait3A_85 : memref<1x4x128xi32, #tpu.memory_space<hbm>> -> memref<4x128xi32, #tpu.memory_space<hbm>>
      tpu.wait_dma2 semaphore(%run_scoped3A : memref<!tpu.dma_semaphore, #tpu.memory_space<semaphore_mem>>) src(%dma_wait3A_86 : memref<4x128xi32, #tpu.memory_space<hbm>>) dst(%arg5 : memref<4x128xi32, #tpu.memory_space<vmem>>)
      tpu.yield
    }) : () -> ()
    %dma_start3A = arith.constant 0 : i32
    %dma_start3A_1 = arith.constant 0 : i32
    %dma_start3A_2 = tpu.memref_slice %arg5[%dma_start3A, %dma_start3A_1] : memref<4x128xi32, #tpu.memory_space<vmem>> -> memref<1x128xi32, #tpu.memory_space<vmem>>
    %dma_start3A_3 = tpu.memref_squeeze %dma_start3A_2 : memref<1x128xi32, #tpu.memory_space<vmem>> -> memref<128xi32, #tpu.memory_space<vmem>>
    %dma_start3A_4 = arith.constant 0 : i32
    %dma_start3A_5 = arith.constant 0 : i32
    %dma_start3A_6 = tpu.memref_slice %arg2[%dma_start3A_4, %dma_start3A_5] : memref<8192x512xf32, #tpu.memory_space<hbm>> -> memref<8192x512xf32, #tpu.memory_space<hbm>>
    tpu.enqueue_indirect_dma source(%dma_start3A_6 : memref<8192x512xf32, #tpu.memory_space<hbm>>) target(%arg6 : memref<128x512xf32, #tpu.memory_space<vmem>>) offsets(%dma_start3A_3 : memref<128xi32, #tpu.memory_space<vmem>>) semaphore(%arg7 : memref<!tpu.dma_semaphore, #tpu.memory_space<semaphore_mem>>)
    %dma_wait3A = arith.constant 0 : i32
    %dma_wait3A_7 = arith.constant 0 : i32
    %dma_wait3A_8 = tpu.memref_slice %arg5[%dma_wait3A, %dma_wait3A_7] : memref<4x128xi32, #tpu.memory_space<vmem>> -> memref<1x128xi32, #tpu.memory_space<vmem>>
    %dma_wait3A_9 = tpu.memref_squeeze %dma_wait3A_8 : memref<1x128xi32, #tpu.memory_space<vmem>> -> memref<128xi32, #tpu.memory_space<vmem>>
    %dma_wait3A_10 = arith.constant 0 : i32
    %dma_wait3A_11 = arith.constant 0 : i32
    %dma_wait3A_12 = tpu.memref_slice %arg2[%dma_wait3A_10, %dma_wait3A_11] : memref<8192x512xf32, #tpu.memory_space<hbm>> -> memref<8192x512xf32, #tpu.memory_space<hbm>>
    tpu.wait_indirect_dma semaphore(%arg7 : memref<!tpu.dma_semaphore, #tpu.memory_space<semaphore_mem>>) src(%dma_wait3A_12 : memref<8192x512xf32, #tpu.memory_space<hbm>>) dst(%arg6 : memref<128x512xf32, #tpu.memory_space<vmem>>)
    %mul3A_13 = arith.constant 512 : i32
    %mul3A_14 = arith.muli %add3A, %mul3A_13 : i32
    %add3A_15 = arith.constant 0 : i32
    %add3A_16 = arith.addi %mul3A_14, %add3A_15 : i32
    "tpu.region"() ({
      %run_scoped3A = tpu.sem_alloc : memref<!tpu.dma_semaphore, #tpu.memory_space<semaphore_mem>>
      %dma_start3A_71 = arith.constant 0 : i32
      %dma_start3A_72 = tpu.memref_slice %arg4[%add3A_16, %dma_start3A_71] : memref<16384x512xf32, #tpu.memory_space<hbm>> -> memref<128x512xf32, #tpu.memory_space<hbm>>
      %dma_start3A_73 = arith.constant 0 : i32
      %dma_start3A_74 = tpu.memref_slice %arg4[%add3A_16, %dma_start3A_73] : memref<16384x512xf32, #tpu.memory_space<hbm>> -> memref<128x512xf32, #tpu.memory_space<hbm>>
      tpu.enqueue_dma source(%arg6 : memref<128x512xf32, #tpu.memory_space<vmem>>) target(%dma_start3A_74 : memref<128x512xf32, #tpu.memory_space<hbm>>) target_semaphore(%run_scoped3A : memref<!tpu.dma_semaphore, #tpu.memory_space<semaphore_mem>>)
      %dma_wait3A_75 = arith.constant 0 : i32
      %dma_wait3A_76 = tpu.memref_slice %arg4[%add3A_16, %dma_wait3A_75] : memref<16384x512xf32, #tpu.memory_space<hbm>> -> memref<128x512xf32, #tpu.memory_space<hbm>>
      %dma_wait3A_77 = arith.constant 0 : i32
      %dma_wait3A_78 = tpu.memref_slice %arg4[%add3A_16, %dma_wait3A_77] : memref<16384x512xf32, #tpu.memory_space<hbm>> -> memref<128x512xf32, #tpu.memory_space<hbm>>
      tpu.wait_dma2 semaphore(%run_scoped3A : memref<!tpu.dma_semaphore, #tpu.memory_space<semaphore_mem>>) src(%arg6 : memref<128x512xf32, #tpu.memory_space<vmem>>) dst(%dma_wait3A_78 : memref<128x512xf32, #tpu.memory_space<hbm>>)
      tpu.yield
    }) : () -> ()
    %dma_start3A_17 = arith.constant 1 : i32
    %dma_start3A_18 = arith.constant 0 : i32
    %dma_start3A_19 = tpu.memref_slice %arg5[%dma_start3A_17, %dma_start3A_18] : memref<4x128xi32, #tpu.memory_space<vmem>> -> memref<1x128xi32, #tpu.memory_space<vmem>>
    %dma_start3A_20 = tpu.memref_squeeze %dma_start3A_19 : memref<1x128xi32, #tpu.memory_space<vmem>> -> memref<128xi32, #tpu.memory_space<vmem>>
    %dma_start3A_21 = arith.constant 0 : i32
    %dma_start3A_22 = arith.constant 0 : i32
    %dma_start3A_23 = tpu.memref_slice %arg2[%dma_start3A_21, %dma_start3A_22] : memref<8192x512xf32, #tpu.memory_space<hbm>> -> memref<8192x512xf32, #tpu.memory_space<hbm>>
    tpu.enqueue_indirect_dma source(%dma_start3A_23 : memref<8192x512xf32, #tpu.memory_space<hbm>>) target(%arg6 : memref<128x512xf32, #tpu.memory_space<vmem>>) offsets(%dma_start3A_20 : memref<128xi32, #tpu.memory_space<vmem>>) semaphore(%arg7 : memref<!tpu.dma_semaphore, #tpu.memory_space<semaphore_mem>>)
    %dma_wait3A_24 = arith.constant 1 : i32
    %dma_wait3A_25 = arith.constant 0 : i32
    %dma_wait3A_26 = tpu.memref_slice %arg5[%dma_wait3A_24, %dma_wait3A_25] : memref<4x128xi32, #tpu.memory_space<vmem>> -> memref<1x128xi32, #tpu.memory_space<vmem>>
    %dma_wait3A_27 = tpu.memref_squeeze %dma_wait3A_26 : memref<1x128xi32, #tpu.memory_space<vmem>> -> memref<128xi32, #tpu.memory_space<vmem>>
    %dma_wait3A_28 = arith.constant 0 : i32
    %dma_wait3A_29 = arith.constant 0 : i32
    %dma_wait3A_30 = tpu.memref_slice %arg2[%dma_wait3A_28, %dma_wait3A_29] : memref<8192x512xf32, #tpu.memory_space<hbm>> -> memref<8192x512xf32, #tpu.memory_space<hbm>>
    tpu.wait_indirect_dma semaphore(%arg7 : memref<!tpu.dma_semaphore, #tpu.memory_space<semaphore_mem>>) src(%dma_wait3A_30 : memref<8192x512xf32, #tpu.memory_space<hbm>>) dst(%arg6 : memref<128x512xf32, #tpu.memory_space<vmem>>)
    %mul3A_31 = arith.constant 512 : i32
    %mul3A_32 = arith.muli %add3A, %mul3A_31 : i32
    %add3A_33 = arith.constant 128 : i32
    %add3A_34 = arith.addi %mul3A_32, %add3A_33 : i32
    "tpu.region"() ({
      %run_scoped3A = tpu.sem_alloc : memref<!tpu.dma_semaphore, #tpu.memory_space<semaphore_mem>>
      %dma_start3A_71 = arith.constant 0 : i32
      %dma_start3A_72 = tpu.memref_slice %arg4[%add3A_34, %dma_start3A_71] : memref<16384x512xf32, #tpu.memory_space<hbm>> -> memref<128x512xf32, #tpu.memory_space<hbm>>
      %dma_start3A_73 = arith.constant 0 : i32
      %dma_start3A_74 = tpu.memref_slice %arg4[%add3A_34, %dma_start3A_73] : memref<16384x512xf32, #tpu.memory_space<hbm>> -> memref<128x512xf32, #tpu.memory_space<hbm>>
      tpu.enqueue_dma source(%arg6 : memref<128x512xf32, #tpu.memory_space<vmem>>) target(%dma_start3A_74 : memref<128x512xf32, #tpu.memory_space<hbm>>) target_semaphore(%run_scoped3A : memref<!tpu.dma_semaphore, #tpu.memory_space<semaphore_mem>>)
      %dma_wait3A_75 = arith.constant 0 : i32
      %dma_wait3A_76 = tpu.memref_slice %arg4[%add3A_34, %dma_wait3A_75] : memref<16384x512xf32, #tpu.memory_space<hbm>> -> memref<128x512xf32, #tpu.memory_space<hbm>>
      %dma_wait3A_77 = arith.constant 0 : i32
      %dma_wait3A_78 = tpu.memref_slice %arg4[%add3A_34, %dma_wait3A_77] : memref<16384x512xf32, #tpu.memory_space<hbm>> -> memref<128x512xf32, #tpu.memory_space<hbm>>
      tpu.wait_dma2 semaphore(%run_scoped3A : memref<!tpu.dma_semaphore, #tpu.memory_space<semaphore_mem>>) src(%arg6 : memref<128x512xf32, #tpu.memory_space<vmem>>) dst(%dma_wait3A_78 : memref<128x512xf32, #tpu.memory_space<hbm>>)
      tpu.yield
    }) : () -> ()
    %dma_start3A_35 = arith.constant 2 : i32
    %dma_start3A_36 = arith.constant 0 : i32
    %dma_start3A_37 = tpu.memref_slice %arg5[%dma_start3A_35, %dma_start3A_36] : memref<4x128xi32, #tpu.memory_space<vmem>> -> memref<1x128xi32, #tpu.memory_space<vmem>>
    %dma_start3A_38 = tpu.memref_squeeze %dma_start3A_37 : memref<1x128xi32, #tpu.memory_space<vmem>> -> memref<128xi32, #tpu.memory_space<vmem>>
    %dma_start3A_39 = arith.constant 0 : i32
    %dma_start3A_40 = arith.constant 0 : i32
    %dma_start3A_41 = tpu.memref_slice %arg2[%dma_start3A_39, %dma_start3A_40] : memref<8192x512xf32, #tpu.memory_space<hbm>> -> memref<8192x512xf32, #tpu.memory_space<hbm>>
    tpu.enqueue_indirect_dma source(%dma_start3A_41 : memref<8192x512xf32, #tpu.memory_space<hbm>>) target(%arg6 : memref<128x512xf32, #tpu.memory_space<vmem>>) offsets(%dma_start3A_38 : memref<128xi32, #tpu.memory_space<vmem>>) semaphore(%arg7 : memref<!tpu.dma_semaphore, #tpu.memory_space<semaphore_mem>>)
    %dma_wait3A_42 = arith.constant 2 : i32
    %dma_wait3A_43 = arith.constant 0 : i32
    %dma_wait3A_44 = tpu.memref_slice %arg5[%dma_wait3A_42, %dma_wait3A_43] : memref<4x128xi32, #tpu.memory_space<vmem>> -> memref<1x128xi32, #tpu.memory_space<vmem>>
    %dma_wait3A_45 = tpu.memref_squeeze %dma_wait3A_44 : memref<1x128xi32, #tpu.memory_space<vmem>> -> memref<128xi32, #tpu.memory_space<vmem>>
    %dma_wait3A_46 = arith.constant 0 : i32
    %dma_wait3A_47 = arith.constant 0 : i32
    %dma_wait3A_48 = tpu.memref_slice %arg2[%dma_wait3A_46, %dma_wait3A_47] : memref<8192x512xf32, #tpu.memory_space<hbm>> -> memref<8192x512xf32, #tpu.memory_space<hbm>>
    tpu.wait_indirect_dma semaphore(%arg7 : memref<!tpu.dma_semaphore, #tpu.memory_space<semaphore_mem>>) src(%dma_wait3A_48 : memref<8192x512xf32, #tpu.memory_space<hbm>>) dst(%arg6 : memref<128x512xf32, #tpu.memory_space<vmem>>)
    %mul3A_49 = arith.constant 512 : i32
    %mul3A_50 = arith.muli %add3A, %mul3A_49 : i32
    %add3A_51 = arith.constant 256 : i32
    %add3A_52 = arith.addi %mul3A_50, %add3A_51 : i32
    "tpu.region"() ({
      %run_scoped3A = tpu.sem_alloc : memref<!tpu.dma_semaphore, #tpu.memory_space<semaphore_mem>>
      %dma_start3A_71 = arith.constant 0 : i32
      %dma_start3A_72 = tpu.memref_slice %arg4[%add3A_52, %dma_start3A_71] : memref<16384x512xf32, #tpu.memory_space<hbm>> -> memref<128x512xf32, #tpu.memory_space<hbm>>
      %dma_start3A_73 = arith.constant 0 : i32
      %dma_start3A_74 = tpu.memref_slice %arg4[%add3A_52, %dma_start3A_73] : memref<16384x512xf32, #tpu.memory_space<hbm>> -> memref<128x512xf32, #tpu.memory_space<hbm>>
      tpu.enqueue_dma source(%arg6 : memref<128x512xf32, #tpu.memory_space<vmem>>) target(%dma_start3A_74 : memref<128x512xf32, #tpu.memory_space<hbm>>) target_semaphore(%run_scoped3A : memref<!tpu.dma_semaphore, #tpu.memory_space<semaphore_mem>>)
      %dma_wait3A_75 = arith.constant 0 : i32
      %dma_wait3A_76 = tpu.memref_slice %arg4[%add3A_52, %dma_wait3A_75] : memref<16384x512xf32, #tpu.memory_space<hbm>> -> memref<128x512xf32, #tpu.memory_space<hbm>>
      %dma_wait3A_77 = arith.constant 0 : i32
      %dma_wait3A_78 = tpu.memref_slice %arg4[%add3A_52, %dma_wait3A_77] : memref<16384x512xf32, #tpu.memory_space<hbm>> -> memref<128x512xf32, #tpu.memory_space<hbm>>
      tpu.wait_dma2 semaphore(%run_scoped3A : memref<!tpu.dma_semaphore, #tpu.memory_space<semaphore_mem>>) src(%arg6 : memref<128x512xf32, #tpu.memory_space<vmem>>) dst(%dma_wait3A_78 : memref<128x512xf32, #tpu.memory_space<hbm>>)
      tpu.yield
    }) : () -> ()
    %dma_start3A_53 = arith.constant 3 : i32
    %dma_start3A_54 = arith.constant 0 : i32
    %dma_start3A_55 = tpu.memref_slice %arg5[%dma_start3A_53, %dma_start3A_54] : memref<4x128xi32, #tpu.memory_space<vmem>> -> memref<1x128xi32, #tpu.memory_space<vmem>>
    %dma_start3A_56 = tpu.memref_squeeze %dma_start3A_55 : memref<1x128xi32, #tpu.memory_space<vmem>> -> memref<128xi32, #tpu.memory_space<vmem>>
    %dma_start3A_57 = arith.constant 0 : i32
    %dma_start3A_58 = arith.constant 0 : i32
    %dma_start3A_59 = tpu.memref_slice %arg2[%dma_start3A_57, %dma_start3A_58] : memref<8192x512xf32, #tpu.memory_space<hbm>> -> memref<8192x512xf32, #tpu.memory_space<hbm>>
    tpu.enqueue_indirect_dma source(%dma_start3A_59 : memref<8192x512xf32, #tpu.memory_space<hbm>>) target(%arg6 : memref<128x512xf32, #tpu.memory_space<vmem>>) offsets(%dma_start3A_56 : memref<128xi32, #tpu.memory_space<vmem>>) semaphore(%arg7 : memref<!tpu.dma_semaphore, #tpu.memory_space<semaphore_mem>>)
    %dma_wait3A_60 = arith.constant 3 : i32
    %dma_wait3A_61 = arith.constant 0 : i32
    %dma_wait3A_62 = tpu.memref_slice %arg5[%dma_wait3A_60, %dma_wait3A_61] : memref<4x128xi32, #tpu.memory_space<vmem>> -> memref<1x128xi32, #tpu.memory_space<vmem>>
    %dma_wait3A_63 = tpu.memref_squeeze %dma_wait3A_62 : memref<1x128xi32, #tpu.memory_space<vmem>> -> memref<128xi32, #tpu.memory_space<vmem>>
    %dma_wait3A_64 = arith.constant 0 : i32
    %dma_wait3A_65 = arith.constant 0 : i32
    %dma_wait3A_66 = tpu.memref_slice %arg2[%dma_wait3A_64, %dma_wait3A_65] : memref<8192x512xf32, #tpu.memory_space<hbm>> -> memref<8192x512xf32, #tpu.memory_space<hbm>>
    tpu.wait_indirect_dma semaphore(%arg7 : memref<!tpu.dma_semaphore, #tpu.memory_space<semaphore_mem>>) src(%dma_wait3A_66 : memref<8192x512xf32, #tpu.memory_space<hbm>>) dst(%arg6 : memref<128x512xf32, #tpu.memory_space<vmem>>)
    %mul3A_67 = arith.constant 512 : i32
    %mul3A_68 = arith.muli %add3A, %mul3A_67 : i32
    %add3A_69 = arith.constant 384 : i32
    %add3A_70 = arith.addi %mul3A_68, %add3A_69 : i32
    "tpu.region"() ({
      %run_scoped3A = tpu.sem_alloc : memref<!tpu.dma_semaphore, #tpu.memory_space<semaphore_mem>>
      %dma_start3A_71 = arith.constant 0 : i32
      %dma_start3A_72 = tpu.memref_slice %arg4[%add3A_70, %dma_start3A_71] : memref<16384x512xf32, #tpu.memory_space<hbm>> -> memref<128x512xf32, #tpu.memory_space<hbm>>
      %dma_start3A_73 = arith.constant 0 : i32
      %dma_start3A_74 = tpu.memref_slice %arg4[%add3A_70, %dma_start3A_73] : memref<16384x512xf32, #tpu.memory_space<hbm>> -> memref<128x512xf32, #tpu.memory_space<hbm>>
      tpu.enqueue_dma source(%arg6 : memref<128x512xf32, #tpu.memory_space<vmem>>) target(%dma_start3A_74 : memref<128x512xf32, #tpu.memory_space<hbm>>) target_semaphore(%run_scoped3A : memref<!tpu.dma_semaphore, #tpu.memory_space<semaphore_mem>>)
      %dma_wait3A_75 = arith.constant 0 : i32
      %dma_wait3A_76 = tpu.memref_slice %arg4[%add3A_70, %dma_wait3A_75] : memref<16384x512xf32, #tpu.memory_space<hbm>> -> memref<128x512xf32, #tpu.memory_space<hbm>>
      %dma_wait3A_77 = arith.constant 0 : i32
      %dma_wait3A_78 = tpu.memref_slice %arg4[%add3A_70, %dma_wait3A_77] : memref<16384x512xf32, #tpu.memory_space<hbm>> -> memref<128x512xf32, #tpu.memory_space<hbm>>
      tpu.wait_dma2 semaphore(%run_scoped3A : memref<!tpu.dma_semaphore, #tpu.memory_space<semaphore_mem>>) src(%arg6 : memref<128x512xf32, #tpu.memory_space<vmem>>) dst(%dma_wait3A_78 : memref<128x512xf32, #tpu.memory_space<hbm>>)
      tpu.yield
    }) : () -> ()
    return
  }
}

module attributes {stable_mosaic.version = 14 : i64} {
  func.func @_argmin_body(%arg0: i32, %arg1: memref<2048x3xf32, #tpu.memory_space<vmem>>, %arg2: memref<3x8192xf32, #tpu.memory_space<vmem>>, %arg3: memref<2048x1xi32, #tpu.memory_space<vmem>>) attributes {dimension_semantics = [#tpu.dimension_semantics<arbitrary>], iteration_bounds = array<i64: 8>, scalar_prefetch = 0 : i64, scratch_operands = 0 : i64, tpu.core_type = #tpu.core_type<tc>, window_params = [{transform_indices = @transform_0, window_bounds = array<i64: 2048, 3>}, {pipeline_mode = #tpu.pipeline_mode<synchronous>, transform_indices = @transform_1, window_bounds = array<i64: 3, 8192>}, {transform_indices = @transform_2, window_bounds = array<i64: 2048, 1>}]} {
    %get3A = arith.constant 0 : index
    %get3A_0 = arith.constant 0 : index
    %get3A_1 = vector.load %arg1[%get3A, %get3A_0] : memref<2048x3xf32, #tpu.memory_space<vmem>>, vector<2048x3xf32>
    %get3A_2 = arith.constant 0 : index
    %get3A_3 = arith.constant 0 : index
    %get3A_4 = vector.load %arg2[%get3A_2, %get3A_3] : memref<3x8192xf32, #tpu.memory_space<vmem>>, vector<3x8192xf32>
    %mul3A = arith.constant -2.000000e+00 : f32
    %mul3A_5 = vector.broadcast %mul3A : f32 to vector<2048x3xf32>
    %mul3A_6 = arith.mulf %get3A_1, %mul3A_5 : vector<2048x3xf32>
    %convert_element_type3A = arith.truncf %mul3A_6 : vector<2048x3xf32> to vector<2048x3xbf16>
    %convert_element_type3A_7 = arith.truncf %get3A_4 : vector<3x8192xf32> to vector<3x8192xbf16>
    %dot_general3A = arith.constant dense<0.000000e+00> : vector<2048x8192xf32>
    %dot_general3A_8 = tpu.matmul %convert_element_type3A, %convert_element_type3A_7, %dot_general3A {dimension_numbers = #tpu.dot_dimension_numbers<[1], [0], [0], [1], [0, 0, 1, 1], [], []>, transpose_lhs_hint = false} : vector<2048x3xbf16>, vector<3x8192xbf16>, vector<2048x8192xf32> -> vector<2048x8192xf32>
    %slice3A = vector.extract_strided_slice %get3A_1 {offsets = [0, 0], sizes = [2048, 1], strides = [1, 1]} : vector<2048x3xf32> to vector<2048x1xf32>
    %slice3A_9 = vector.extract_strided_slice %get3A_1 {offsets = [0, 0], sizes = [2048, 1], strides = [1, 1]} : vector<2048x3xf32> to vector<2048x1xf32>
    %mul3A_10 = arith.mulf %slice3A, %slice3A_9 : vector<2048x1xf32>
    %slice3A_11 = vector.extract_strided_slice %get3A_1 {offsets = [0, 2], sizes = [2048, 1], strides = [1, 1]} : vector<2048x3xf32> to vector<2048x1xf32>
    %slice3A_12 = vector.extract_strided_slice %get3A_1 {offsets = [0, 2], sizes = [2048, 1], strides = [1, 1]} : vector<2048x3xf32> to vector<2048x1xf32>
    %mul3A_13 = arith.mulf %slice3A_11, %slice3A_12 : vector<2048x1xf32>
    %add3A = arith.addf %mul3A_10, %mul3A_13 : vector<2048x1xf32>
    %slice3A_14 = vector.extract_strided_slice %get3A_1 {offsets = [0, 1], sizes = [2048, 1], strides = [1, 1]} : vector<2048x3xf32> to vector<2048x1xf32>
    %slice3A_15 = vector.extract_strided_slice %get3A_1 {offsets = [0, 1], sizes = [2048, 1], strides = [1, 1]} : vector<2048x3xf32> to vector<2048x1xf32>
    %mul3A_16 = arith.mulf %slice3A_14, %slice3A_15 : vector<2048x1xf32>
    %add3A_17 = arith.addf %add3A, %mul3A_16 : vector<2048x1xf32>
    %slice3A_18 = vector.extract_strided_slice %get3A_4 {offsets = [0, 0], sizes = [1, 8192], strides = [1, 1]} : vector<3x8192xf32> to vector<1x8192xf32>
    %slice3A_19 = vector.extract_strided_slice %get3A_4 {offsets = [0, 0], sizes = [1, 8192], strides = [1, 1]} : vector<3x8192xf32> to vector<1x8192xf32>
    %mul3A_20 = arith.mulf %slice3A_18, %slice3A_19 : vector<1x8192xf32>
    %slice3A_21 = vector.extract_strided_slice %get3A_4 {offsets = [2, 0], sizes = [1, 8192], strides = [1, 1]} : vector<3x8192xf32> to vector<1x8192xf32>
    %slice3A_22 = vector.extract_strided_slice %get3A_4 {offsets = [2, 0], sizes = [1, 8192], strides = [1, 1]} : vector<3x8192xf32> to vector<1x8192xf32>
    %mul3A_23 = arith.mulf %slice3A_21, %slice3A_22 : vector<1x8192xf32>
    %add3A_24 = arith.addf %mul3A_20, %mul3A_23 : vector<1x8192xf32>
    %slice3A_25 = vector.extract_strided_slice %get3A_4 {offsets = [1, 0], sizes = [1, 8192], strides = [1, 1]} : vector<3x8192xf32> to vector<1x8192xf32>
    %slice3A_26 = vector.extract_strided_slice %get3A_4 {offsets = [1, 0], sizes = [1, 8192], strides = [1, 1]} : vector<3x8192xf32> to vector<1x8192xf32>
    %mul3A_27 = arith.mulf %slice3A_25, %slice3A_26 : vector<1x8192xf32>
    %add3A_28 = arith.addf %add3A_24, %mul3A_27 : vector<1x8192xf32>
    %iota3A = tpu.iota {dimensions = array<i32: 1>} : vector<2048x128xi32>
    %convert_element_type3A_29 = arith.sitofp %iota3A : vector<2048x128xi32> to vector<2048x128xf32>
    %slice3A_30 = vector.extract_strided_slice %dot_general3A_8 {offsets = [0, 0], sizes = [2048, 128], strides = [1, 1]} : vector<2048x8192xf32> to vector<2048x128xf32>
    %add3A_31 = vector.broadcast %add3A_17 : vector<2048x1xf32> to vector<2048x128xf32>
    %add3A_32 = arith.addf %add3A_31, %slice3A_30 : vector<2048x128xf32>
    %slice3A_33 = vector.extract_strided_slice %add3A_28 {offsets = [0, 0], sizes = [1, 128], strides = [1, 1]} : vector<1x8192xf32> to vector<1x128xf32>
    %add3A_34 = vector.broadcast %slice3A_33 : vector<1x128xf32> to vector<2048x128xf32>
    %add3A_35 = arith.addf %add3A_32, %add3A_34 : vector<2048x128xf32>
    %broadcast_in_dim3A = arith.constant 0.000000e+00 : f32
    %broadcast_in_dim3A_36 = vector.broadcast %broadcast_in_dim3A : f32 to vector<2048x128xf32>
    %slice3A_37 = vector.extract_strided_slice %dot_general3A_8 {offsets = [0, 128], sizes = [2048, 128], strides = [1, 1]} : vector<2048x8192xf32> to vector<2048x128xf32>
    %add3A_38 = vector.broadcast %add3A_17 : vector<2048x1xf32> to vector<2048x128xf32>
    %add3A_39 = arith.addf %add3A_38, %slice3A_37 : vector<2048x128xf32>
    %slice3A_40 = vector.extract_strided_slice %add3A_28 {offsets = [0, 128], sizes = [1, 128], strides = [1, 1]} : vector<1x8192xf32> to vector<1x128xf32>
    %add3A_41 = vector.broadcast %slice3A_40 : vector<1x128xf32> to vector<2048x128xf32>
    %add3A_42 = arith.addf %add3A_39, %add3A_41 : vector<2048x128xf32>
    %lt3A = arith.cmpf olt, %add3A_42, %add3A_35 : vector<2048x128xf32>
    %select_n3A = arith.select %lt3A, %add3A_42, %add3A_35 : vector<2048x128xi1>, vector<2048x128xf32>
    %jit3A = arith.constant 1.000000e+00 : f32
    %broadcast_in_dim3A_43 = vector.broadcast %jit3A : f32 to vector<2048x128xf32>
    %select_n3A_44 = arith.select %lt3A, %broadcast_in_dim3A_43, %broadcast_in_dim3A_36 : vector<2048x128xi1>, vector<2048x128xf32>
    %slice3A_45 = vector.extract_strided_slice %dot_general3A_8 {offsets = [0, 256], sizes = [2048, 128], strides = [1, 1]} : vector<2048x8192xf32> to vector<2048x128xf32>
    %add3A_46 = vector.broadcast %add3A_17 : vector<2048x1xf32> to vector<2048x128xf32>
    %add3A_47 = arith.addf %add3A_46, %slice3A_45 : vector<2048x128xf32>
    %slice3A_48 = vector.extract_strided_slice %add3A_28 {offsets = [0, 256], sizes = [1, 128], strides = [1, 1]} : vector<1x8192xf32> to vector<1x128xf32>
    %add3A_49 = vector.broadcast %slice3A_48 : vector<1x128xf32> to vector<2048x128xf32>
    %add3A_50 = arith.addf %add3A_47, %add3A_49 : vector<2048x128xf32>
    %lt3A_51 = arith.cmpf olt, %add3A_50, %select_n3A : vector<2048x128xf32>
    %select_n3A_52 = arith.select %lt3A_51, %add3A_50, %select_n3A : vector<2048x128xi1>, vector<2048x128xf32>
    %jit3A_53 = arith.constant 2.000000e+00 : f32
    %broadcast_in_dim3A_54 = vector.broadcast %jit3A_53 : f32 to vector<2048x128xf32>
    %select_n3A_55 = arith.select %lt3A_51, %broadcast_in_dim3A_54, %select_n3A_44 : vector<2048x128xi1>, vector<2048x128xf32>
    %slice3A_56 = vector.extract_strided_slice %dot_general3A_8 {offsets = [0, 384], sizes = [2048, 128], strides = [1, 1]} : vector<2048x8192xf32> to vector<2048x128xf32>
    %add3A_57 = vector.broadcast %add3A_17 : vector<2048x1xf32> to vector<2048x128xf32>
    %add3A_58 = arith.addf %add3A_57, %slice3A_56 : vector<2048x128xf32>
    %slice3A_59 = vector.extract_strided_slice %add3A_28 {offsets = [0, 384], sizes = [1, 128], strides = [1, 1]} : vector<1x8192xf32> to vector<1x128xf32>
    %add3A_60 = vector.broadcast %slice3A_59 : vector<1x128xf32> to vector<2048x128xf32>
    %add3A_61 = arith.addf %add3A_58, %add3A_60 : vector<2048x128xf32>
    %lt3A_62 = arith.cmpf olt, %add3A_61, %select_n3A_52 : vector<2048x128xf32>
    %select_n3A_63 = arith.select %lt3A_62, %add3A_61, %select_n3A_52 : vector<2048x128xi1>, vector<2048x128xf32>
    %jit3A_64 = arith.constant 3.000000e+00 : f32
    %broadcast_in_dim3A_65 = vector.broadcast %jit3A_64 : f32 to vector<2048x128xf32>
    %select_n3A_66 = arith.select %lt3A_62, %broadcast_in_dim3A_65, %select_n3A_55 : vector<2048x128xi1>, vector<2048x128xf32>
    %slice3A_67 = vector.extract_strided_slice %dot_general3A_8 {offsets = [0, 512], sizes = [2048, 128], strides = [1, 1]} : vector<2048x8192xf32> to vector<2048x128xf32>
    %add3A_68 = vector.broadcast %add3A_17 : vector<2048x1xf32> to vector<2048x128xf32>
    %add3A_69 = arith.addf %add3A_68, %slice3A_67 : vector<2048x128xf32>
    %slice3A_70 = vector.extract_strided_slice %add3A_28 {offsets = [0, 512], sizes = [1, 128], strides = [1, 1]} : vector<1x8192xf32> to vector<1x128xf32>
    %add3A_71 = vector.broadcast %slice3A_70 : vector<1x128xf32> to vector<2048x128xf32>
    %add3A_72 = arith.addf %add3A_69, %add3A_71 : vector<2048x128xf32>
    %lt3A_73 = arith.cmpf olt, %add3A_72, %select_n3A_63 : vector<2048x128xf32>
    %select_n3A_74 = arith.select %lt3A_73, %add3A_72, %select_n3A_63 : vector<2048x128xi1>, vector<2048x128xf32>
    %jit3A_75 = arith.constant 4.000000e+00 : f32
    %broadcast_in_dim3A_76 = vector.broadcast %jit3A_75 : f32 to vector<2048x128xf32>
    %select_n3A_77 = arith.select %lt3A_73, %broadcast_in_dim3A_76, %select_n3A_66 : vector<2048x128xi1>, vector<2048x128xf32>
    %slice3A_78 = vector.extract_strided_slice %dot_general3A_8 {offsets = [0, 640], sizes = [2048, 128], strides = [1, 1]} : vector<2048x8192xf32> to vector<2048x128xf32>
    %add3A_79 = vector.broadcast %add3A_17 : vector<2048x1xf32> to vector<2048x128xf32>
    %add3A_80 = arith.addf %add3A_79, %slice3A_78 : vector<2048x128xf32>
    %slice3A_81 = vector.extract_strided_slice %add3A_28 {offsets = [0, 640], sizes = [1, 128], strides = [1, 1]} : vector<1x8192xf32> to vector<1x128xf32>
    %add3A_82 = vector.broadcast %slice3A_81 : vector<1x128xf32> to vector<2048x128xf32>
    %add3A_83 = arith.addf %add3A_80, %add3A_82 : vector<2048x128xf32>
    %lt3A_84 = arith.cmpf olt, %add3A_83, %select_n3A_74 : vector<2048x128xf32>
    %select_n3A_85 = arith.select %lt3A_84, %add3A_83, %select_n3A_74 : vector<2048x128xi1>, vector<2048x128xf32>
    %jit3A_86 = arith.constant 5.000000e+00 : f32
    %broadcast_in_dim3A_87 = vector.broadcast %jit3A_86 : f32 to vector<2048x128xf32>
    %select_n3A_88 = arith.select %lt3A_84, %broadcast_in_dim3A_87, %select_n3A_77 : vector<2048x128xi1>, vector<2048x128xf32>
    %slice3A_89 = vector.extract_strided_slice %dot_general3A_8 {offsets = [0, 768], sizes = [2048, 128], strides = [1, 1]} : vector<2048x8192xf32> to vector<2048x128xf32>
    %add3A_90 = vector.broadcast %add3A_17 : vector<2048x1xf32> to vector<2048x128xf32>
    %add3A_91 = arith.addf %add3A_90, %slice3A_89 : vector<2048x128xf32>
    %slice3A_92 = vector.extract_strided_slice %add3A_28 {offsets = [0, 768], sizes = [1, 128], strides = [1, 1]} : vector<1x8192xf32> to vector<1x128xf32>
    %add3A_93 = vector.broadcast %slice3A_92 : vector<1x128xf32> to vector<2048x128xf32>
    %add3A_94 = arith.addf %add3A_91, %add3A_93 : vector<2048x128xf32>
    %lt3A_95 = arith.cmpf olt, %add3A_94, %select_n3A_85 : vector<2048x128xf32>
    %select_n3A_96 = arith.select %lt3A_95, %add3A_94, %select_n3A_85 : vector<2048x128xi1>, vector<2048x128xf32>
    %jit3A_97 = arith.constant 6.000000e+00 : f32
    %broadcast_in_dim3A_98 = vector.broadcast %jit3A_97 : f32 to vector<2048x128xf32>
    %select_n3A_99 = arith.select %lt3A_95, %broadcast_in_dim3A_98, %select_n3A_88 : vector<2048x128xi1>, vector<2048x128xf32>
    %slice3A_100 = vector.extract_strided_slice %dot_general3A_8 {offsets = [0, 896], sizes = [2048, 128], strides = [1, 1]} : vector<2048x8192xf32> to vector<2048x128xf32>
    %add3A_101 = vector.broadcast %add3A_17 : vector<2048x1xf32> to vector<2048x128xf32>
    %add3A_102 = arith.addf %add3A_101, %slice3A_100 : vector<2048x128xf32>
    %slice3A_103 = vector.extract_strided_slice %add3A_28 {offsets = [0, 896], sizes = [1, 128], strides = [1, 1]} : vector<1x8192xf32> to vector<1x128xf32>
    %add3A_104 = vector.broadcast %slice3A_103 : vector<1x128xf32> to vector<2048x128xf32>
    %add3A_105 = arith.addf %add3A_102, %add3A_104 : vector<2048x128xf32>
    %lt3A_106 = arith.cmpf olt, %add3A_105, %select_n3A_96 : vector<2048x128xf32>
    %select_n3A_107 = arith.select %lt3A_106, %add3A_105, %select_n3A_96 : vector<2048x128xi1>, vector<2048x128xf32>
    %jit3A_108 = arith.constant 7.000000e+00 : f32
    %broadcast_in_dim3A_109 = vector.broadcast %jit3A_108 : f32 to vector<2048x128xf32>
    %select_n3A_110 = arith.select %lt3A_106, %broadcast_in_dim3A_109, %select_n3A_99 : vector<2048x128xi1>, vector<2048x128xf32>
    %slice3A_111 = vector.extract_strided_slice %dot_general3A_8 {offsets = [0, 1024], sizes = [2048, 128], strides = [1, 1]} : vector<2048x8192xf32> to vector<2048x128xf32>
    %add3A_112 = vector.broadcast %add3A_17 : vector<2048x1xf32> to vector<2048x128xf32>
    %add3A_113 = arith.addf %add3A_112, %slice3A_111 : vector<2048x128xf32>
    %slice3A_114 = vector.extract_strided_slice %add3A_28 {offsets = [0, 1024], sizes = [1, 128], strides = [1, 1]} : vector<1x8192xf32> to vector<1x128xf32>
    %add3A_115 = vector.broadcast %slice3A_114 : vector<1x128xf32> to vector<2048x128xf32>
    %add3A_116 = arith.addf %add3A_113, %add3A_115 : vector<2048x128xf32>
    %lt3A_117 = arith.cmpf olt, %add3A_116, %select_n3A_107 : vector<2048x128xf32>
    %select_n3A_118 = arith.select %lt3A_117, %add3A_116, %select_n3A_107 : vector<2048x128xi1>, vector<2048x128xf32>
    %jit3A_119 = arith.constant 8.000000e+00 : f32
    %broadcast_in_dim3A_120 = vector.broadcast %jit3A_119 : f32 to vector<2048x128xf32>
    %select_n3A_121 = arith.select %lt3A_117, %broadcast_in_dim3A_120, %select_n3A_110 : vector<2048x128xi1>, vector<2048x128xf32>
    %slice3A_122 = vector.extract_strided_slice %dot_general3A_8 {offsets = [0, 1152], sizes = [2048, 128], strides = [1, 1]} : vector<2048x8192xf32> to vector<2048x128xf32>
    %add3A_123 = vector.broadcast %add3A_17 : vector<2048x1xf32> to vector<2048x128xf32>
    %add3A_124 = arith.addf %add3A_123, %slice3A_122 : vector<2048x128xf32>
    %slice3A_125 = vector.extract_strided_slice %add3A_28 {offsets = [0, 1152], sizes = [1, 128], strides = [1, 1]} : vector<1x8192xf32> to vector<1x128xf32>
    %add3A_126 = vector.broadcast %slice3A_125 : vector<1x128xf32> to vector<2048x128xf32>
    %add3A_127 = arith.addf %add3A_124, %add3A_126 : vector<2048x128xf32>
    %lt3A_128 = arith.cmpf olt, %add3A_127, %select_n3A_118 : vector<2048x128xf32>
    %select_n3A_129 = arith.select %lt3A_128, %add3A_127, %select_n3A_118 : vector<2048x128xi1>, vector<2048x128xf32>
    %jit3A_130 = arith.constant 9.000000e+00 : f32
    %broadcast_in_dim3A_131 = vector.broadcast %jit3A_130 : f32 to vector<2048x128xf32>
    %select_n3A_132 = arith.select %lt3A_128, %broadcast_in_dim3A_131, %select_n3A_121 : vector<2048x128xi1>, vector<2048x128xf32>
    %slice3A_133 = vector.extract_strided_slice %dot_general3A_8 {offsets = [0, 1280], sizes = [2048, 128], strides = [1, 1]} : vector<2048x8192xf32> to vector<2048x128xf32>
    %add3A_134 = vector.broadcast %add3A_17 : vector<2048x1xf32> to vector<2048x128xf32>
    %add3A_135 = arith.addf %add3A_134, %slice3A_133 : vector<2048x128xf32>
    %slice3A_136 = vector.extract_strided_slice %add3A_28 {offsets = [0, 1280], sizes = [1, 128], strides = [1, 1]} : vector<1x8192xf32> to vector<1x128xf32>
    %add3A_137 = vector.broadcast %slice3A_136 : vector<1x128xf32> to vector<2048x128xf32>
    %add3A_138 = arith.addf %add3A_135, %add3A_137 : vector<2048x128xf32>
    %lt3A_139 = arith.cmpf olt, %add3A_138, %select_n3A_129 : vector<2048x128xf32>
    %select_n3A_140 = arith.select %lt3A_139, %add3A_138, %select_n3A_129 : vector<2048x128xi1>, vector<2048x128xf32>
    %jit3A_141 = arith.constant 1.000000e+01 : f32
    %broadcast_in_dim3A_142 = vector.broadcast %jit3A_141 : f32 to vector<2048x128xf32>
    %select_n3A_143 = arith.select %lt3A_139, %broadcast_in_dim3A_142, %select_n3A_132 : vector<2048x128xi1>, vector<2048x128xf32>
    %slice3A_144 = vector.extract_strided_slice %dot_general3A_8 {offsets = [0, 1408], sizes = [2048, 128], strides = [1, 1]} : vector<2048x8192xf32> to vector<2048x128xf32>
    %add3A_145 = vector.broadcast %add3A_17 : vector<2048x1xf32> to vector<2048x128xf32>
    %add3A_146 = arith.addf %add3A_145, %slice3A_144 : vector<2048x128xf32>
    %slice3A_147 = vector.extract_strided_slice %add3A_28 {offsets = [0, 1408], sizes = [1, 128], strides = [1, 1]} : vector<1x8192xf32> to vector<1x128xf32>
    %add3A_148 = vector.broadcast %slice3A_147 : vector<1x128xf32> to vector<2048x128xf32>
    %add3A_149 = arith.addf %add3A_146, %add3A_148 : vector<2048x128xf32>
    %lt3A_150 = arith.cmpf olt, %add3A_149, %select_n3A_140 : vector<2048x128xf32>
    %select_n3A_151 = arith.select %lt3A_150, %add3A_149, %select_n3A_140 : vector<2048x128xi1>, vector<2048x128xf32>
    %jit3A_152 = arith.constant 1.100000e+01 : f32
    %broadcast_in_dim3A_153 = vector.broadcast %jit3A_152 : f32 to vector<2048x128xf32>
    %select_n3A_154 = arith.select %lt3A_150, %broadcast_in_dim3A_153, %select_n3A_143 : vector<2048x128xi1>, vector<2048x128xf32>
    %slice3A_155 = vector.extract_strided_slice %dot_general3A_8 {offsets = [0, 1536], sizes = [2048, 128], strides = [1, 1]} : vector<2048x8192xf32> to vector<2048x128xf32>
    %add3A_156 = vector.broadcast %add3A_17 : vector<2048x1xf32> to vector<2048x128xf32>
    %add3A_157 = arith.addf %add3A_156, %slice3A_155 : vector<2048x128xf32>
    %slice3A_158 = vector.extract_strided_slice %add3A_28 {offsets = [0, 1536], sizes = [1, 128], strides = [1, 1]} : vector<1x8192xf32> to vector<1x128xf32>
    %add3A_159 = vector.broadcast %slice3A_158 : vector<1x128xf32> to vector<2048x128xf32>
    %add3A_160 = arith.addf %add3A_157, %add3A_159 : vector<2048x128xf32>
    %lt3A_161 = arith.cmpf olt, %add3A_160, %select_n3A_151 : vector<2048x128xf32>
    %select_n3A_162 = arith.select %lt3A_161, %add3A_160, %select_n3A_151 : vector<2048x128xi1>, vector<2048x128xf32>
    %jit3A_163 = arith.constant 1.200000e+01 : f32
    %broadcast_in_dim3A_164 = vector.broadcast %jit3A_163 : f32 to vector<2048x128xf32>
    %select_n3A_165 = arith.select %lt3A_161, %broadcast_in_dim3A_164, %select_n3A_154 : vector<2048x128xi1>, vector<2048x128xf32>
    %slice3A_166 = vector.extract_strided_slice %dot_general3A_8 {offsets = [0, 1664], sizes = [2048, 128], strides = [1, 1]} : vector<2048x8192xf32> to vector<2048x128xf32>
    %add3A_167 = vector.broadcast %add3A_17 : vector<2048x1xf32> to vector<2048x128xf32>
    %add3A_168 = arith.addf %add3A_167, %slice3A_166 : vector<2048x128xf32>
    %slice3A_169 = vector.extract_strided_slice %add3A_28 {offsets = [0, 1664], sizes = [1, 128], strides = [1, 1]} : vector<1x8192xf32> to vector<1x128xf32>
    %add3A_170 = vector.broadcast %slice3A_169 : vector<1x128xf32> to vector<2048x128xf32>
    %add3A_171 = arith.addf %add3A_168, %add3A_170 : vector<2048x128xf32>
    %lt3A_172 = arith.cmpf olt, %add3A_171, %select_n3A_162 : vector<2048x128xf32>
    %select_n3A_173 = arith.select %lt3A_172, %add3A_171, %select_n3A_162 : vector<2048x128xi1>, vector<2048x128xf32>
    %jit3A_174 = arith.constant 1.300000e+01 : f32
    %broadcast_in_dim3A_175 = vector.broadcast %jit3A_174 : f32 to vector<2048x128xf32>
    %select_n3A_176 = arith.select %lt3A_172, %broadcast_in_dim3A_175, %select_n3A_165 : vector<2048x128xi1>, vector<2048x128xf32>
    %slice3A_177 = vector.extract_strided_slice %dot_general3A_8 {offsets = [0, 1792], sizes = [2048, 128], strides = [1, 1]} : vector<2048x8192xf32> to vector<2048x128xf32>
    %add3A_178 = vector.broadcast %add3A_17 : vector<2048x1xf32> to vector<2048x128xf32>
    %add3A_179 = arith.addf %add3A_178, %slice3A_177 : vector<2048x128xf32>
    %slice3A_180 = vector.extract_strided_slice %add3A_28 {offsets = [0, 1792], sizes = [1, 128], strides = [1, 1]} : vector<1x8192xf32> to vector<1x128xf32>
    %add3A_181 = vector.broadcast %slice3A_180 : vector<1x128xf32> to vector<2048x128xf32>
    %add3A_182 = arith.addf %add3A_179, %add3A_181 : vector<2048x128xf32>
    %lt3A_183 = arith.cmpf olt, %add3A_182, %select_n3A_173 : vector<2048x128xf32>
    %select_n3A_184 = arith.select %lt3A_183, %add3A_182, %select_n3A_173 : vector<2048x128xi1>, vector<2048x128xf32>
    %jit3A_185 = arith.constant 1.400000e+01 : f32
    %broadcast_in_dim3A_186 = vector.broadcast %jit3A_185 : f32 to vector<2048x128xf32>
    %select_n3A_187 = arith.select %lt3A_183, %broadcast_in_dim3A_186, %select_n3A_176 : vector<2048x128xi1>, vector<2048x128xf32>
    %slice3A_188 = vector.extract_strided_slice %dot_general3A_8 {offsets = [0, 1920], sizes = [2048, 128], strides = [1, 1]} : vector<2048x8192xf32> to vector<2048x128xf32>
    %add3A_189 = vector.broadcast %add3A_17 : vector<2048x1xf32> to vector<2048x128xf32>
    %add3A_190 = arith.addf %add3A_189, %slice3A_188 : vector<2048x128xf32>
    %slice3A_191 = vector.extract_strided_slice %add3A_28 {offsets = [0, 1920], sizes = [1, 128], strides = [1, 1]} : vector<1x8192xf32> to vector<1x128xf32>
    %add3A_192 = vector.broadcast %slice3A_191 : vector<1x128xf32> to vector<2048x128xf32>
    %add3A_193 = arith.addf %add3A_190, %add3A_192 : vector<2048x128xf32>
    %lt3A_194 = arith.cmpf olt, %add3A_193, %select_n3A_184 : vector<2048x128xf32>
    %select_n3A_195 = arith.select %lt3A_194, %add3A_193, %select_n3A_184 : vector<2048x128xi1>, vector<2048x128xf32>
    %jit3A_196 = arith.constant 1.500000e+01 : f32
    %broadcast_in_dim3A_197 = vector.broadcast %jit3A_196 : f32 to vector<2048x128xf32>
    %select_n3A_198 = arith.select %lt3A_194, %broadcast_in_dim3A_197, %select_n3A_187 : vector<2048x128xi1>, vector<2048x128xf32>
    %slice3A_199 = vector.extract_strided_slice %dot_general3A_8 {offsets = [0, 2048], sizes = [2048, 128], strides = [1, 1]} : vector<2048x8192xf32> to vector<2048x128xf32>
    %add3A_200 = vector.broadcast %add3A_17 : vector<2048x1xf32> to vector<2048x128xf32>
    %add3A_201 = arith.addf %add3A_200, %slice3A_199 : vector<2048x128xf32>
    %slice3A_202 = vector.extract_strided_slice %add3A_28 {offsets = [0, 2048], sizes = [1, 128], strides = [1, 1]} : vector<1x8192xf32> to vector<1x128xf32>
    %add3A_203 = vector.broadcast %slice3A_202 : vector<1x128xf32> to vector<2048x128xf32>
    %add3A_204 = arith.addf %add3A_201, %add3A_203 : vector<2048x128xf32>
    %lt3A_205 = arith.cmpf olt, %add3A_204, %select_n3A_195 : vector<2048x128xf32>
    %select_n3A_206 = arith.select %lt3A_205, %add3A_204, %select_n3A_195 : vector<2048x128xi1>, vector<2048x128xf32>
    %jit3A_207 = arith.constant 1.600000e+01 : f32
    %broadcast_in_dim3A_208 = vector.broadcast %jit3A_207 : f32 to vector<2048x128xf32>
    %select_n3A_209 = arith.select %lt3A_205, %broadcast_in_dim3A_208, %select_n3A_198 : vector<2048x128xi1>, vector<2048x128xf32>
    %slice3A_210 = vector.extract_strided_slice %dot_general3A_8 {offsets = [0, 2176], sizes = [2048, 128], strides = [1, 1]} : vector<2048x8192xf32> to vector<2048x128xf32>
    %add3A_211 = vector.broadcast %add3A_17 : vector<2048x1xf32> to vector<2048x128xf32>
    %add3A_212 = arith.addf %add3A_211, %slice3A_210 : vector<2048x128xf32>
    %slice3A_213 = vector.extract_strided_slice %add3A_28 {offsets = [0, 2176], sizes = [1, 128], strides = [1, 1]} : vector<1x8192xf32> to vector<1x128xf32>
    %add3A_214 = vector.broadcast %slice3A_213 : vector<1x128xf32> to vector<2048x128xf32>
    %add3A_215 = arith.addf %add3A_212, %add3A_214 : vector<2048x128xf32>
    %lt3A_216 = arith.cmpf olt, %add3A_215, %select_n3A_206 : vector<2048x128xf32>
    %select_n3A_217 = arith.select %lt3A_216, %add3A_215, %select_n3A_206 : vector<2048x128xi1>, vector<2048x128xf32>
    %jit3A_218 = arith.constant 1.700000e+01 : f32
    %broadcast_in_dim3A_219 = vector.broadcast %jit3A_218 : f32 to vector<2048x128xf32>
    %select_n3A_220 = arith.select %lt3A_216, %broadcast_in_dim3A_219, %select_n3A_209 : vector<2048x128xi1>, vector<2048x128xf32>
    %slice3A_221 = vector.extract_strided_slice %dot_general3A_8 {offsets = [0, 2304], sizes = [2048, 128], strides = [1, 1]} : vector<2048x8192xf32> to vector<2048x128xf32>
    %add3A_222 = vector.broadcast %add3A_17 : vector<2048x1xf32> to vector<2048x128xf32>
    %add3A_223 = arith.addf %add3A_222, %slice3A_221 : vector<2048x128xf32>
    %slice3A_224 = vector.extract_strided_slice %add3A_28 {offsets = [0, 2304], sizes = [1, 128], strides = [1, 1]} : vector<1x8192xf32> to vector<1x128xf32>
    %add3A_225 = vector.broadcast %slice3A_224 : vector<1x128xf32> to vector<2048x128xf32>
    %add3A_226 = arith.addf %add3A_223, %add3A_225 : vector<2048x128xf32>
    %lt3A_227 = arith.cmpf olt, %add3A_226, %select_n3A_217 : vector<2048x128xf32>
    %select_n3A_228 = arith.select %lt3A_227, %add3A_226, %select_n3A_217 : vector<2048x128xi1>, vector<2048x128xf32>
    %jit3A_229 = arith.constant 1.800000e+01 : f32
    %broadcast_in_dim3A_230 = vector.broadcast %jit3A_229 : f32 to vector<2048x128xf32>
    %select_n3A_231 = arith.select %lt3A_227, %broadcast_in_dim3A_230, %select_n3A_220 : vector<2048x128xi1>, vector<2048x128xf32>
    %slice3A_232 = vector.extract_strided_slice %dot_general3A_8 {offsets = [0, 2432], sizes = [2048, 128], strides = [1, 1]} : vector<2048x8192xf32> to vector<2048x128xf32>
    %add3A_233 = vector.broadcast %add3A_17 : vector<2048x1xf32> to vector<2048x128xf32>
    %add3A_234 = arith.addf %add3A_233, %slice3A_232 : vector<2048x128xf32>
    %slice3A_235 = vector.extract_strided_slice %add3A_28 {offsets = [0, 2432], sizes = [1, 128], strides = [1, 1]} : vector<1x8192xf32> to vector<1x128xf32>
    %add3A_236 = vector.broadcast %slice3A_235 : vector<1x128xf32> to vector<2048x128xf32>
    %add3A_237 = arith.addf %add3A_234, %add3A_236 : vector<2048x128xf32>
    %lt3A_238 = arith.cmpf olt, %add3A_237, %select_n3A_228 : vector<2048x128xf32>
    %select_n3A_239 = arith.select %lt3A_238, %add3A_237, %select_n3A_228 : vector<2048x128xi1>, vector<2048x128xf32>
    %jit3A_240 = arith.constant 1.900000e+01 : f32
    %broadcast_in_dim3A_241 = vector.broadcast %jit3A_240 : f32 to vector<2048x128xf32>
    %select_n3A_242 = arith.select %lt3A_238, %broadcast_in_dim3A_241, %select_n3A_231 : vector<2048x128xi1>, vector<2048x128xf32>
    %slice3A_243 = vector.extract_strided_slice %dot_general3A_8 {offsets = [0, 2560], sizes = [2048, 128], strides = [1, 1]} : vector<2048x8192xf32> to vector<2048x128xf32>
    %add3A_244 = vector.broadcast %add3A_17 : vector<2048x1xf32> to vector<2048x128xf32>
    %add3A_245 = arith.addf %add3A_244, %slice3A_243 : vector<2048x128xf32>
    %slice3A_246 = vector.extract_strided_slice %add3A_28 {offsets = [0, 2560], sizes = [1, 128], strides = [1, 1]} : vector<1x8192xf32> to vector<1x128xf32>
    %add3A_247 = vector.broadcast %slice3A_246 : vector<1x128xf32> to vector<2048x128xf32>
    %add3A_248 = arith.addf %add3A_245, %add3A_247 : vector<2048x128xf32>
    %lt3A_249 = arith.cmpf olt, %add3A_248, %select_n3A_239 : vector<2048x128xf32>
    %select_n3A_250 = arith.select %lt3A_249, %add3A_248, %select_n3A_239 : vector<2048x128xi1>, vector<2048x128xf32>
    %jit3A_251 = arith.constant 2.000000e+01 : f32
    %broadcast_in_dim3A_252 = vector.broadcast %jit3A_251 : f32 to vector<2048x128xf32>
    %select_n3A_253 = arith.select %lt3A_249, %broadcast_in_dim3A_252, %select_n3A_242 : vector<2048x128xi1>, vector<2048x128xf32>
    %slice3A_254 = vector.extract_strided_slice %dot_general3A_8 {offsets = [0, 2688], sizes = [2048, 128], strides = [1, 1]} : vector<2048x8192xf32> to vector<2048x128xf32>
    %add3A_255 = vector.broadcast %add3A_17 : vector<2048x1xf32> to vector<2048x128xf32>
    %add3A_256 = arith.addf %add3A_255, %slice3A_254 : vector<2048x128xf32>
    %slice3A_257 = vector.extract_strided_slice %add3A_28 {offsets = [0, 2688], sizes = [1, 128], strides = [1, 1]} : vector<1x8192xf32> to vector<1x128xf32>
    %add3A_258 = vector.broadcast %slice3A_257 : vector<1x128xf32> to vector<2048x128xf32>
    %add3A_259 = arith.addf %add3A_256, %add3A_258 : vector<2048x128xf32>
    %lt3A_260 = arith.cmpf olt, %add3A_259, %select_n3A_250 : vector<2048x128xf32>
    %select_n3A_261 = arith.select %lt3A_260, %add3A_259, %select_n3A_250 : vector<2048x128xi1>, vector<2048x128xf32>
    %jit3A_262 = arith.constant 2.100000e+01 : f32
    %broadcast_in_dim3A_263 = vector.broadcast %jit3A_262 : f32 to vector<2048x128xf32>
    %select_n3A_264 = arith.select %lt3A_260, %broadcast_in_dim3A_263, %select_n3A_253 : vector<2048x128xi1>, vector<2048x128xf32>
    %slice3A_265 = vector.extract_strided_slice %dot_general3A_8 {offsets = [0, 2816], sizes = [2048, 128], strides = [1, 1]} : vector<2048x8192xf32> to vector<2048x128xf32>
    %add3A_266 = vector.broadcast %add3A_17 : vector<2048x1xf32> to vector<2048x128xf32>
    %add3A_267 = arith.addf %add3A_266, %slice3A_265 : vector<2048x128xf32>
    %slice3A_268 = vector.extract_strided_slice %add3A_28 {offsets = [0, 2816], sizes = [1, 128], strides = [1, 1]} : vector<1x8192xf32> to vector<1x128xf32>
    %add3A_269 = vector.broadcast %slice3A_268 : vector<1x128xf32> to vector<2048x128xf32>
    %add3A_270 = arith.addf %add3A_267, %add3A_269 : vector<2048x128xf32>
    %lt3A_271 = arith.cmpf olt, %add3A_270, %select_n3A_261 : vector<2048x128xf32>
    %select_n3A_272 = arith.select %lt3A_271, %add3A_270, %select_n3A_261 : vector<2048x128xi1>, vector<2048x128xf32>
    %jit3A_273 = arith.constant 2.200000e+01 : f32
    %broadcast_in_dim3A_274 = vector.broadcast %jit3A_273 : f32 to vector<2048x128xf32>
    %select_n3A_275 = arith.select %lt3A_271, %broadcast_in_dim3A_274, %select_n3A_264 : vector<2048x128xi1>, vector<2048x128xf32>
    %slice3A_276 = vector.extract_strided_slice %dot_general3A_8 {offsets = [0, 2944], sizes = [2048, 128], strides = [1, 1]} : vector<2048x8192xf32> to vector<2048x128xf32>
    %add3A_277 = vector.broadcast %add3A_17 : vector<2048x1xf32> to vector<2048x128xf32>
    %add3A_278 = arith.addf %add3A_277, %slice3A_276 : vector<2048x128xf32>
    %slice3A_279 = vector.extract_strided_slice %add3A_28 {offsets = [0, 2944], sizes = [1, 128], strides = [1, 1]} : vector<1x8192xf32> to vector<1x128xf32>
    %add3A_280 = vector.broadcast %slice3A_279 : vector<1x128xf32> to vector<2048x128xf32>
    %add3A_281 = arith.addf %add3A_278, %add3A_280 : vector<2048x128xf32>
    %lt3A_282 = arith.cmpf olt, %add3A_281, %select_n3A_272 : vector<2048x128xf32>
    %select_n3A_283 = arith.select %lt3A_282, %add3A_281, %select_n3A_272 : vector<2048x128xi1>, vector<2048x128xf32>
    %jit3A_284 = arith.constant 2.300000e+01 : f32
    %broadcast_in_dim3A_285 = vector.broadcast %jit3A_284 : f32 to vector<2048x128xf32>
    %select_n3A_286 = arith.select %lt3A_282, %broadcast_in_dim3A_285, %select_n3A_275 : vector<2048x128xi1>, vector<2048x128xf32>
    %slice3A_287 = vector.extract_strided_slice %dot_general3A_8 {offsets = [0, 3072], sizes = [2048, 128], strides = [1, 1]} : vector<2048x8192xf32> to vector<2048x128xf32>
    %add3A_288 = vector.broadcast %add3A_17 : vector<2048x1xf32> to vector<2048x128xf32>
    %add3A_289 = arith.addf %add3A_288, %slice3A_287 : vector<2048x128xf32>
    %slice3A_290 = vector.extract_strided_slice %add3A_28 {offsets = [0, 3072], sizes = [1, 128], strides = [1, 1]} : vector<1x8192xf32> to vector<1x128xf32>
    %add3A_291 = vector.broadcast %slice3A_290 : vector<1x128xf32> to vector<2048x128xf32>
    %add3A_292 = arith.addf %add3A_289, %add3A_291 : vector<2048x128xf32>
    %lt3A_293 = arith.cmpf olt, %add3A_292, %select_n3A_283 : vector<2048x128xf32>
    %select_n3A_294 = arith.select %lt3A_293, %add3A_292, %select_n3A_283 : vector<2048x128xi1>, vector<2048x128xf32>
    %jit3A_295 = arith.constant 2.400000e+01 : f32
    %broadcast_in_dim3A_296 = vector.broadcast %jit3A_295 : f32 to vector<2048x128xf32>
    %select_n3A_297 = arith.select %lt3A_293, %broadcast_in_dim3A_296, %select_n3A_286 : vector<2048x128xi1>, vector<2048x128xf32>
    %slice3A_298 = vector.extract_strided_slice %dot_general3A_8 {offsets = [0, 3200], sizes = [2048, 128], strides = [1, 1]} : vector<2048x8192xf32> to vector<2048x128xf32>
    %add3A_299 = vector.broadcast %add3A_17 : vector<2048x1xf32> to vector<2048x128xf32>
    %add3A_300 = arith.addf %add3A_299, %slice3A_298 : vector<2048x128xf32>
    %slice3A_301 = vector.extract_strided_slice %add3A_28 {offsets = [0, 3200], sizes = [1, 128], strides = [1, 1]} : vector<1x8192xf32> to vector<1x128xf32>
    %add3A_302 = vector.broadcast %slice3A_301 : vector<1x128xf32> to vector<2048x128xf32>
    %add3A_303 = arith.addf %add3A_300, %add3A_302 : vector<2048x128xf32>
    %lt3A_304 = arith.cmpf olt, %add3A_303, %select_n3A_294 : vector<2048x128xf32>
    %select_n3A_305 = arith.select %lt3A_304, %add3A_303, %select_n3A_294 : vector<2048x128xi1>, vector<2048x128xf32>
    %jit3A_306 = arith.constant 2.500000e+01 : f32
    %broadcast_in_dim3A_307 = vector.broadcast %jit3A_306 : f32 to vector<2048x128xf32>
    %select_n3A_308 = arith.select %lt3A_304, %broadcast_in_dim3A_307, %select_n3A_297 : vector<2048x128xi1>, vector<2048x128xf32>
    %slice3A_309 = vector.extract_strided_slice %dot_general3A_8 {offsets = [0, 3328], sizes = [2048, 128], strides = [1, 1]} : vector<2048x8192xf32> to vector<2048x128xf32>
    %add3A_310 = vector.broadcast %add3A_17 : vector<2048x1xf32> to vector<2048x128xf32>
    %add3A_311 = arith.addf %add3A_310, %slice3A_309 : vector<2048x128xf32>
    %slice3A_312 = vector.extract_strided_slice %add3A_28 {offsets = [0, 3328], sizes = [1, 128], strides = [1, 1]} : vector<1x8192xf32> to vector<1x128xf32>
    %add3A_313 = vector.broadcast %slice3A_312 : vector<1x128xf32> to vector<2048x128xf32>
    %add3A_314 = arith.addf %add3A_311, %add3A_313 : vector<2048x128xf32>
    %lt3A_315 = arith.cmpf olt, %add3A_314, %select_n3A_305 : vector<2048x128xf32>
    %select_n3A_316 = arith.select %lt3A_315, %add3A_314, %select_n3A_305 : vector<2048x128xi1>, vector<2048x128xf32>
    %jit3A_317 = arith.constant 2.600000e+01 : f32
    %broadcast_in_dim3A_318 = vector.broadcast %jit3A_317 : f32 to vector<2048x128xf32>
    %select_n3A_319 = arith.select %lt3A_315, %broadcast_in_dim3A_318, %select_n3A_308 : vector<2048x128xi1>, vector<2048x128xf32>
    %slice3A_320 = vector.extract_strided_slice %dot_general3A_8 {offsets = [0, 3456], sizes = [2048, 128], strides = [1, 1]} : vector<2048x8192xf32> to vector<2048x128xf32>
    %add3A_321 = vector.broadcast %add3A_17 : vector<2048x1xf32> to vector<2048x128xf32>
    %add3A_322 = arith.addf %add3A_321, %slice3A_320 : vector<2048x128xf32>
    %slice3A_323 = vector.extract_strided_slice %add3A_28 {offsets = [0, 3456], sizes = [1, 128], strides = [1, 1]} : vector<1x8192xf32> to vector<1x128xf32>
    %add3A_324 = vector.broadcast %slice3A_323 : vector<1x128xf32> to vector<2048x128xf32>
    %add3A_325 = arith.addf %add3A_322, %add3A_324 : vector<2048x128xf32>
    %lt3A_326 = arith.cmpf olt, %add3A_325, %select_n3A_316 : vector<2048x128xf32>
    %select_n3A_327 = arith.select %lt3A_326, %add3A_325, %select_n3A_316 : vector<2048x128xi1>, vector<2048x128xf32>
    %jit3A_328 = arith.constant 2.700000e+01 : f32
    %broadcast_in_dim3A_329 = vector.broadcast %jit3A_328 : f32 to vector<2048x128xf32>
    %select_n3A_330 = arith.select %lt3A_326, %broadcast_in_dim3A_329, %select_n3A_319 : vector<2048x128xi1>, vector<2048x128xf32>
    %slice3A_331 = vector.extract_strided_slice %dot_general3A_8 {offsets = [0, 3584], sizes = [2048, 128], strides = [1, 1]} : vector<2048x8192xf32> to vector<2048x128xf32>
    %add3A_332 = vector.broadcast %add3A_17 : vector<2048x1xf32> to vector<2048x128xf32>
    %add3A_333 = arith.addf %add3A_332, %slice3A_331 : vector<2048x128xf32>
    %slice3A_334 = vector.extract_strided_slice %add3A_28 {offsets = [0, 3584], sizes = [1, 128], strides = [1, 1]} : vector<1x8192xf32> to vector<1x128xf32>
    %add3A_335 = vector.broadcast %slice3A_334 : vector<1x128xf32> to vector<2048x128xf32>
    %add3A_336 = arith.addf %add3A_333, %add3A_335 : vector<2048x128xf32>
    %lt3A_337 = arith.cmpf olt, %add3A_336, %select_n3A_327 : vector<2048x128xf32>
    %select_n3A_338 = arith.select %lt3A_337, %add3A_336, %select_n3A_327 : vector<2048x128xi1>, vector<2048x128xf32>
    %jit3A_339 = arith.constant 2.800000e+01 : f32
    %broadcast_in_dim3A_340 = vector.broadcast %jit3A_339 : f32 to vector<2048x128xf32>
    %select_n3A_341 = arith.select %lt3A_337, %broadcast_in_dim3A_340, %select_n3A_330 : vector<2048x128xi1>, vector<2048x128xf32>
    %slice3A_342 = vector.extract_strided_slice %dot_general3A_8 {offsets = [0, 3712], sizes = [2048, 128], strides = [1, 1]} : vector<2048x8192xf32> to vector<2048x128xf32>
    %add3A_343 = vector.broadcast %add3A_17 : vector<2048x1xf32> to vector<2048x128xf32>
    %add3A_344 = arith.addf %add3A_343, %slice3A_342 : vector<2048x128xf32>
    %slice3A_345 = vector.extract_strided_slice %add3A_28 {offsets = [0, 3712], sizes = [1, 128], strides = [1, 1]} : vector<1x8192xf32> to vector<1x128xf32>
    %add3A_346 = vector.broadcast %slice3A_345 : vector<1x128xf32> to vector<2048x128xf32>
    %add3A_347 = arith.addf %add3A_344, %add3A_346 : vector<2048x128xf32>
    %lt3A_348 = arith.cmpf olt, %add3A_347, %select_n3A_338 : vector<2048x128xf32>
    %select_n3A_349 = arith.select %lt3A_348, %add3A_347, %select_n3A_338 : vector<2048x128xi1>, vector<2048x128xf32>
    %jit3A_350 = arith.constant 2.900000e+01 : f32
    %broadcast_in_dim3A_351 = vector.broadcast %jit3A_350 : f32 to vector<2048x128xf32>
    %select_n3A_352 = arith.select %lt3A_348, %broadcast_in_dim3A_351, %select_n3A_341 : vector<2048x128xi1>, vector<2048x128xf32>
    %slice3A_353 = vector.extract_strided_slice %dot_general3A_8 {offsets = [0, 3840], sizes = [2048, 128], strides = [1, 1]} : vector<2048x8192xf32> to vector<2048x128xf32>
    %add3A_354 = vector.broadcast %add3A_17 : vector<2048x1xf32> to vector<2048x128xf32>
    %add3A_355 = arith.addf %add3A_354, %slice3A_353 : vector<2048x128xf32>
    %slice3A_356 = vector.extract_strided_slice %add3A_28 {offsets = [0, 3840], sizes = [1, 128], strides = [1, 1]} : vector<1x8192xf32> to vector<1x128xf32>
    %add3A_357 = vector.broadcast %slice3A_356 : vector<1x128xf32> to vector<2048x128xf32>
    %add3A_358 = arith.addf %add3A_355, %add3A_357 : vector<2048x128xf32>
    %lt3A_359 = arith.cmpf olt, %add3A_358, %select_n3A_349 : vector<2048x128xf32>
    %select_n3A_360 = arith.select %lt3A_359, %add3A_358, %select_n3A_349 : vector<2048x128xi1>, vector<2048x128xf32>
    %jit3A_361 = arith.constant 3.000000e+01 : f32
    %broadcast_in_dim3A_362 = vector.broadcast %jit3A_361 : f32 to vector<2048x128xf32>
    %select_n3A_363 = arith.select %lt3A_359, %broadcast_in_dim3A_362, %select_n3A_352 : vector<2048x128xi1>, vector<2048x128xf32>
    %slice3A_364 = vector.extract_strided_slice %dot_general3A_8 {offsets = [0, 3968], sizes = [2048, 128], strides = [1, 1]} : vector<2048x8192xf32> to vector<2048x128xf32>
    %add3A_365 = vector.broadcast %add3A_17 : vector<2048x1xf32> to vector<2048x128xf32>
    %add3A_366 = arith.addf %add3A_365, %slice3A_364 : vector<2048x128xf32>
    %slice3A_367 = vector.extract_strided_slice %add3A_28 {offsets = [0, 3968], sizes = [1, 128], strides = [1, 1]} : vector<1x8192xf32> to vector<1x128xf32>
    %add3A_368 = vector.broadcast %slice3A_367 : vector<1x128xf32> to vector<2048x128xf32>
    %add3A_369 = arith.addf %add3A_366, %add3A_368 : vector<2048x128xf32>
    %lt3A_370 = arith.cmpf olt, %add3A_369, %select_n3A_360 : vector<2048x128xf32>
    %select_n3A_371 = arith.select %lt3A_370, %add3A_369, %select_n3A_360 : vector<2048x128xi1>, vector<2048x128xf32>
    %jit3A_372 = arith.constant 3.100000e+01 : f32
    %broadcast_in_dim3A_373 = vector.broadcast %jit3A_372 : f32 to vector<2048x128xf32>
    %select_n3A_374 = arith.select %lt3A_370, %broadcast_in_dim3A_373, %select_n3A_363 : vector<2048x128xi1>, vector<2048x128xf32>
    %mul3A_375 = arith.constant 1.280000e+02 : f32
    %mul3A_376 = vector.broadcast %mul3A_375 : f32 to vector<2048x128xf32>
    %mul3A_377 = arith.mulf %select_n3A_374, %mul3A_376 : vector<2048x128xf32>
    %add3A_378 = arith.addf %mul3A_377, %convert_element_type3A_29 : vector<2048x128xf32>
    %reduce_min3A = arith.constant dense<0x7F800000> : vector<2048xf32>
    %reduce_min3A_379 = vector.multi_reduction <minimumf>, %select_n3A_371, %reduce_min3A [1] : vector<2048x128xf32> to vector<2048xf32>
    %broadcast_in_dim3A_380 = vector.shape_cast %reduce_min3A_379 : vector<2048xf32> to vector<2048x1xf32>
    %eq3A = vector.broadcast %broadcast_in_dim3A_380 : vector<2048x1xf32> to vector<2048x128xf32>
    %eq3A_381 = arith.cmpf oeq, %select_n3A_371, %eq3A : vector<2048x128xf32>
    %jit3A_382 = arith.constant 1.000000e+09 : f32
    %broadcast_in_dim3A_383 = vector.broadcast %jit3A_382 : f32 to vector<2048x128xf32>
    %select_n3A_384 = arith.select %eq3A_381, %add3A_378, %broadcast_in_dim3A_383 : vector<2048x128xi1>, vector<2048x128xf32>
    %reduce_min3A_385 = arith.constant dense<0x7F800000> : vector<2048xf32>
    %reduce_min3A_386 = vector.multi_reduction <minimumf>, %select_n3A_384, %reduce_min3A_385 [1] : vector<2048x128xf32> to vector<2048xf32>
    %slice3A_387 = vector.extract_strided_slice %dot_general3A_8 {offsets = [0, 4096], sizes = [2048, 128], strides = [1, 1]} : vector<2048x8192xf32> to vector<2048x128xf32>
    %add3A_388 = vector.broadcast %add3A_17 : vector<2048x1xf32> to vector<2048x128xf32>
    %add3A_389 = arith.addf %add3A_388, %slice3A_387 : vector<2048x128xf32>
    %slice3A_390 = vector.extract_strided_slice %add3A_28 {offsets = [0, 4096], sizes = [1, 128], strides = [1, 1]} : vector<1x8192xf32> to vector<1x128xf32>
    %add3A_391 = vector.broadcast %slice3A_390 : vector<1x128xf32> to vector<2048x128xf32>
    %add3A_392 = arith.addf %add3A_389, %add3A_391 : vector<2048x128xf32>
    %broadcast_in_dim3A_393 = arith.constant 0.000000e+00 : f32
    %broadcast_in_dim3A_394 = vector.broadcast %broadcast_in_dim3A_393 : f32 to vector<2048x128xf32>
    %slice3A_395 = vector.extract_strided_slice %dot_general3A_8 {offsets = [0, 4224], sizes = [2048, 128], strides = [1, 1]} : vector<2048x8192xf32> to vector<2048x128xf32>
    %add3A_396 = vector.broadcast %add3A_17 : vector<2048x1xf32> to vector<2048x128xf32>
    %add3A_397 = arith.addf %add3A_396, %slice3A_395 : vector<2048x128xf32>
    %slice3A_398 = vector.extract_strided_slice %add3A_28 {offsets = [0, 4224], sizes = [1, 128], strides = [1, 1]} : vector<1x8192xf32> to vector<1x128xf32>
    %add3A_399 = vector.broadcast %slice3A_398 : vector<1x128xf32> to vector<2048x128xf32>
    %add3A_400 = arith.addf %add3A_397, %add3A_399 : vector<2048x128xf32>
    %lt3A_401 = arith.cmpf olt, %add3A_400, %add3A_392 : vector<2048x128xf32>
    %select_n3A_402 = arith.select %lt3A_401, %add3A_400, %add3A_392 : vector<2048x128xi1>, vector<2048x128xf32>
    %jit3A_403 = arith.constant 1.000000e+00 : f32
    %broadcast_in_dim3A_404 = vector.broadcast %jit3A_403 : f32 to vector<2048x128xf32>
    %select_n3A_405 = arith.select %lt3A_401, %broadcast_in_dim3A_404, %broadcast_in_dim3A_394 : vector<2048x128xi1>, vector<2048x128xf32>
    %slice3A_406 = vector.extract_strided_slice %dot_general3A_8 {offsets = [0, 4352], sizes = [2048, 128], strides = [1, 1]} : vector<2048x8192xf32> to vector<2048x128xf32>
    %add3A_407 = vector.broadcast %add3A_17 : vector<2048x1xf32> to vector<2048x128xf32>
    %add3A_408 = arith.addf %add3A_407, %slice3A_406 : vector<2048x128xf32>
    %slice3A_409 = vector.extract_strided_slice %add3A_28 {offsets = [0, 4352], sizes = [1, 128], strides = [1, 1]} : vector<1x8192xf32> to vector<1x128xf32>
    %add3A_410 = vector.broadcast %slice3A_409 : vector<1x128xf32> to vector<2048x128xf32>
    %add3A_411 = arith.addf %add3A_408, %add3A_410 : vector<2048x128xf32>
    %lt3A_412 = arith.cmpf olt, %add3A_411, %select_n3A_402 : vector<2048x128xf32>
    %select_n3A_413 = arith.select %lt3A_412, %add3A_411, %select_n3A_402 : vector<2048x128xi1>, vector<2048x128xf32>
    %jit3A_414 = arith.constant 2.000000e+00 : f32
    %broadcast_in_dim3A_415 = vector.broadcast %jit3A_414 : f32 to vector<2048x128xf32>
    %select_n3A_416 = arith.select %lt3A_412, %broadcast_in_dim3A_415, %select_n3A_405 : vector<2048x128xi1>, vector<2048x128xf32>
    %slice3A_417 = vector.extract_strided_slice %dot_general3A_8 {offsets = [0, 4480], sizes = [2048, 128], strides = [1, 1]} : vector<2048x8192xf32> to vector<2048x128xf32>
    %add3A_418 = vector.broadcast %add3A_17 : vector<2048x1xf32> to vector<2048x128xf32>
    %add3A_419 = arith.addf %add3A_418, %slice3A_417 : vector<2048x128xf32>
    %slice3A_420 = vector.extract_strided_slice %add3A_28 {offsets = [0, 4480], sizes = [1, 128], strides = [1, 1]} : vector<1x8192xf32> to vector<1x128xf32>
    %add3A_421 = vector.broadcast %slice3A_420 : vector<1x128xf32> to vector<2048x128xf32>
    %add3A_422 = arith.addf %add3A_419, %add3A_421 : vector<2048x128xf32>
    %lt3A_423 = arith.cmpf olt, %add3A_422, %select_n3A_413 : vector<2048x128xf32>
    %select_n3A_424 = arith.select %lt3A_423, %add3A_422, %select_n3A_413 : vector<2048x128xi1>, vector<2048x128xf32>
    %jit3A_425 = arith.constant 3.000000e+00 : f32
    %broadcast_in_dim3A_426 = vector.broadcast %jit3A_425 : f32 to vector<2048x128xf32>
    %select_n3A_427 = arith.select %lt3A_423, %broadcast_in_dim3A_426, %select_n3A_416 : vector<2048x128xi1>, vector<2048x128xf32>
    %slice3A_428 = vector.extract_strided_slice %dot_general3A_8 {offsets = [0, 4608], sizes = [2048, 128], strides = [1, 1]} : vector<2048x8192xf32> to vector<2048x128xf32>
    %add3A_429 = vector.broadcast %add3A_17 : vector<2048x1xf32> to vector<2048x128xf32>
    %add3A_430 = arith.addf %add3A_429, %slice3A_428 : vector<2048x128xf32>
    %slice3A_431 = vector.extract_strided_slice %add3A_28 {offsets = [0, 4608], sizes = [1, 128], strides = [1, 1]} : vector<1x8192xf32> to vector<1x128xf32>
    %add3A_432 = vector.broadcast %slice3A_431 : vector<1x128xf32> to vector<2048x128xf32>
    %add3A_433 = arith.addf %add3A_430, %add3A_432 : vector<2048x128xf32>
    %lt3A_434 = arith.cmpf olt, %add3A_433, %select_n3A_424 : vector<2048x128xf32>
    %select_n3A_435 = arith.select %lt3A_434, %add3A_433, %select_n3A_424 : vector<2048x128xi1>, vector<2048x128xf32>
    %jit3A_436 = arith.constant 4.000000e+00 : f32
    %broadcast_in_dim3A_437 = vector.broadcast %jit3A_436 : f32 to vector<2048x128xf32>
    %select_n3A_438 = arith.select %lt3A_434, %broadcast_in_dim3A_437, %select_n3A_427 : vector<2048x128xi1>, vector<2048x128xf32>
    %slice3A_439 = vector.extract_strided_slice %dot_general3A_8 {offsets = [0, 4736], sizes = [2048, 128], strides = [1, 1]} : vector<2048x8192xf32> to vector<2048x128xf32>
    %add3A_440 = vector.broadcast %add3A_17 : vector<2048x1xf32> to vector<2048x128xf32>
    %add3A_441 = arith.addf %add3A_440, %slice3A_439 : vector<2048x128xf32>
    %slice3A_442 = vector.extract_strided_slice %add3A_28 {offsets = [0, 4736], sizes = [1, 128], strides = [1, 1]} : vector<1x8192xf32> to vector<1x128xf32>
    %add3A_443 = vector.broadcast %slice3A_442 : vector<1x128xf32> to vector<2048x128xf32>
    %add3A_444 = arith.addf %add3A_441, %add3A_443 : vector<2048x128xf32>
    %lt3A_445 = arith.cmpf olt, %add3A_444, %select_n3A_435 : vector<2048x128xf32>
    %select_n3A_446 = arith.select %lt3A_445, %add3A_444, %select_n3A_435 : vector<2048x128xi1>, vector<2048x128xf32>
    %jit3A_447 = arith.constant 5.000000e+00 : f32
    %broadcast_in_dim3A_448 = vector.broadcast %jit3A_447 : f32 to vector<2048x128xf32>
    %select_n3A_449 = arith.select %lt3A_445, %broadcast_in_dim3A_448, %select_n3A_438 : vector<2048x128xi1>, vector<2048x128xf32>
    %slice3A_450 = vector.extract_strided_slice %dot_general3A_8 {offsets = [0, 4864], sizes = [2048, 128], strides = [1, 1]} : vector<2048x8192xf32> to vector<2048x128xf32>
    %add3A_451 = vector.broadcast %add3A_17 : vector<2048x1xf32> to vector<2048x128xf32>
    %add3A_452 = arith.addf %add3A_451, %slice3A_450 : vector<2048x128xf32>
    %slice3A_453 = vector.extract_strided_slice %add3A_28 {offsets = [0, 4864], sizes = [1, 128], strides = [1, 1]} : vector<1x8192xf32> to vector<1x128xf32>
    %add3A_454 = vector.broadcast %slice3A_453 : vector<1x128xf32> to vector<2048x128xf32>
    %add3A_455 = arith.addf %add3A_452, %add3A_454 : vector<2048x128xf32>
    %lt3A_456 = arith.cmpf olt, %add3A_455, %select_n3A_446 : vector<2048x128xf32>
    %select_n3A_457 = arith.select %lt3A_456, %add3A_455, %select_n3A_446 : vector<2048x128xi1>, vector<2048x128xf32>
    %jit3A_458 = arith.constant 6.000000e+00 : f32
    %broadcast_in_dim3A_459 = vector.broadcast %jit3A_458 : f32 to vector<2048x128xf32>
    %select_n3A_460 = arith.select %lt3A_456, %broadcast_in_dim3A_459, %select_n3A_449 : vector<2048x128xi1>, vector<2048x128xf32>
    %slice3A_461 = vector.extract_strided_slice %dot_general3A_8 {offsets = [0, 4992], sizes = [2048, 128], strides = [1, 1]} : vector<2048x8192xf32> to vector<2048x128xf32>
    %add3A_462 = vector.broadcast %add3A_17 : vector<2048x1xf32> to vector<2048x128xf32>
    %add3A_463 = arith.addf %add3A_462, %slice3A_461 : vector<2048x128xf32>
    %slice3A_464 = vector.extract_strided_slice %add3A_28 {offsets = [0, 4992], sizes = [1, 128], strides = [1, 1]} : vector<1x8192xf32> to vector<1x128xf32>
    %add3A_465 = vector.broadcast %slice3A_464 : vector<1x128xf32> to vector<2048x128xf32>
    %add3A_466 = arith.addf %add3A_463, %add3A_465 : vector<2048x128xf32>
    %lt3A_467 = arith.cmpf olt, %add3A_466, %select_n3A_457 : vector<2048x128xf32>
    %select_n3A_468 = arith.select %lt3A_467, %add3A_466, %select_n3A_457 : vector<2048x128xi1>, vector<2048x128xf32>
    %jit3A_469 = arith.constant 7.000000e+00 : f32
    %broadcast_in_dim3A_470 = vector.broadcast %jit3A_469 : f32 to vector<2048x128xf32>
    %select_n3A_471 = arith.select %lt3A_467, %broadcast_in_dim3A_470, %select_n3A_460 : vector<2048x128xi1>, vector<2048x128xf32>
    %slice3A_472 = vector.extract_strided_slice %dot_general3A_8 {offsets = [0, 5120], sizes = [2048, 128], strides = [1, 1]} : vector<2048x8192xf32> to vector<2048x128xf32>
    %add3A_473 = vector.broadcast %add3A_17 : vector<2048x1xf32> to vector<2048x128xf32>
    %add3A_474 = arith.addf %add3A_473, %slice3A_472 : vector<2048x128xf32>
    %slice3A_475 = vector.extract_strided_slice %add3A_28 {offsets = [0, 5120], sizes = [1, 128], strides = [1, 1]} : vector<1x8192xf32> to vector<1x128xf32>
    %add3A_476 = vector.broadcast %slice3A_475 : vector<1x128xf32> to vector<2048x128xf32>
    %add3A_477 = arith.addf %add3A_474, %add3A_476 : vector<2048x128xf32>
    %lt3A_478 = arith.cmpf olt, %add3A_477, %select_n3A_468 : vector<2048x128xf32>
    %select_n3A_479 = arith.select %lt3A_478, %add3A_477, %select_n3A_468 : vector<2048x128xi1>, vector<2048x128xf32>
    %jit3A_480 = arith.constant 8.000000e+00 : f32
    %broadcast_in_dim3A_481 = vector.broadcast %jit3A_480 : f32 to vector<2048x128xf32>
    %select_n3A_482 = arith.select %lt3A_478, %broadcast_in_dim3A_481, %select_n3A_471 : vector<2048x128xi1>, vector<2048x128xf32>
    %slice3A_483 = vector.extract_strided_slice %dot_general3A_8 {offsets = [0, 5248], sizes = [2048, 128], strides = [1, 1]} : vector<2048x8192xf32> to vector<2048x128xf32>
    %add3A_484 = vector.broadcast %add3A_17 : vector<2048x1xf32> to vector<2048x128xf32>
    %add3A_485 = arith.addf %add3A_484, %slice3A_483 : vector<2048x128xf32>
    %slice3A_486 = vector.extract_strided_slice %add3A_28 {offsets = [0, 5248], sizes = [1, 128], strides = [1, 1]} : vector<1x8192xf32> to vector<1x128xf32>
    %add3A_487 = vector.broadcast %slice3A_486 : vector<1x128xf32> to vector<2048x128xf32>
    %add3A_488 = arith.addf %add3A_485, %add3A_487 : vector<2048x128xf32>
    %lt3A_489 = arith.cmpf olt, %add3A_488, %select_n3A_479 : vector<2048x128xf32>
    %select_n3A_490 = arith.select %lt3A_489, %add3A_488, %select_n3A_479 : vector<2048x128xi1>, vector<2048x128xf32>
    %jit3A_491 = arith.constant 9.000000e+00 : f32
    %broadcast_in_dim3A_492 = vector.broadcast %jit3A_491 : f32 to vector<2048x128xf32>
    %select_n3A_493 = arith.select %lt3A_489, %broadcast_in_dim3A_492, %select_n3A_482 : vector<2048x128xi1>, vector<2048x128xf32>
    %slice3A_494 = vector.extract_strided_slice %dot_general3A_8 {offsets = [0, 5376], sizes = [2048, 128], strides = [1, 1]} : vector<2048x8192xf32> to vector<2048x128xf32>
    %add3A_495 = vector.broadcast %add3A_17 : vector<2048x1xf32> to vector<2048x128xf32>
    %add3A_496 = arith.addf %add3A_495, %slice3A_494 : vector<2048x128xf32>
    %slice3A_497 = vector.extract_strided_slice %add3A_28 {offsets = [0, 5376], sizes = [1, 128], strides = [1, 1]} : vector<1x8192xf32> to vector<1x128xf32>
    %add3A_498 = vector.broadcast %slice3A_497 : vector<1x128xf32> to vector<2048x128xf32>
    %add3A_499 = arith.addf %add3A_496, %add3A_498 : vector<2048x128xf32>
    %lt3A_500 = arith.cmpf olt, %add3A_499, %select_n3A_490 : vector<2048x128xf32>
    %select_n3A_501 = arith.select %lt3A_500, %add3A_499, %select_n3A_490 : vector<2048x128xi1>, vector<2048x128xf32>
    %jit3A_502 = arith.constant 1.000000e+01 : f32
    %broadcast_in_dim3A_503 = vector.broadcast %jit3A_502 : f32 to vector<2048x128xf32>
    %select_n3A_504 = arith.select %lt3A_500, %broadcast_in_dim3A_503, %select_n3A_493 : vector<2048x128xi1>, vector<2048x128xf32>
    %slice3A_505 = vector.extract_strided_slice %dot_general3A_8 {offsets = [0, 5504], sizes = [2048, 128], strides = [1, 1]} : vector<2048x8192xf32> to vector<2048x128xf32>
    %add3A_506 = vector.broadcast %add3A_17 : vector<2048x1xf32> to vector<2048x128xf32>
    %add3A_507 = arith.addf %add3A_506, %slice3A_505 : vector<2048x128xf32>
    %slice3A_508 = vector.extract_strided_slice %add3A_28 {offsets = [0, 5504], sizes = [1, 128], strides = [1, 1]} : vector<1x8192xf32> to vector<1x128xf32>
    %add3A_509 = vector.broadcast %slice3A_508 : vector<1x128xf32> to vector<2048x128xf32>
    %add3A_510 = arith.addf %add3A_507, %add3A_509 : vector<2048x128xf32>
    %lt3A_511 = arith.cmpf olt, %add3A_510, %select_n3A_501 : vector<2048x128xf32>
    %select_n3A_512 = arith.select %lt3A_511, %add3A_510, %select_n3A_501 : vector<2048x128xi1>, vector<2048x128xf32>
    %jit3A_513 = arith.constant 1.100000e+01 : f32
    %broadcast_in_dim3A_514 = vector.broadcast %jit3A_513 : f32 to vector<2048x128xf32>
    %select_n3A_515 = arith.select %lt3A_511, %broadcast_in_dim3A_514, %select_n3A_504 : vector<2048x128xi1>, vector<2048x128xf32>
    %slice3A_516 = vector.extract_strided_slice %dot_general3A_8 {offsets = [0, 5632], sizes = [2048, 128], strides = [1, 1]} : vector<2048x8192xf32> to vector<2048x128xf32>
    %add3A_517 = vector.broadcast %add3A_17 : vector<2048x1xf32> to vector<2048x128xf32>
    %add3A_518 = arith.addf %add3A_517, %slice3A_516 : vector<2048x128xf32>
    %slice3A_519 = vector.extract_strided_slice %add3A_28 {offsets = [0, 5632], sizes = [1, 128], strides = [1, 1]} : vector<1x8192xf32> to vector<1x128xf32>
    %add3A_520 = vector.broadcast %slice3A_519 : vector<1x128xf32> to vector<2048x128xf32>
    %add3A_521 = arith.addf %add3A_518, %add3A_520 : vector<2048x128xf32>
    %lt3A_522 = arith.cmpf olt, %add3A_521, %select_n3A_512 : vector<2048x128xf32>
    %select_n3A_523 = arith.select %lt3A_522, %add3A_521, %select_n3A_512 : vector<2048x128xi1>, vector<2048x128xf32>
    %jit3A_524 = arith.constant 1.200000e+01 : f32
    %broadcast_in_dim3A_525 = vector.broadcast %jit3A_524 : f32 to vector<2048x128xf32>
    %select_n3A_526 = arith.select %lt3A_522, %broadcast_in_dim3A_525, %select_n3A_515 : vector<2048x128xi1>, vector<2048x128xf32>
    %slice3A_527 = vector.extract_strided_slice %dot_general3A_8 {offsets = [0, 5760], sizes = [2048, 128], strides = [1, 1]} : vector<2048x8192xf32> to vector<2048x128xf32>
    %add3A_528 = vector.broadcast %add3A_17 : vector<2048x1xf32> to vector<2048x128xf32>
    %add3A_529 = arith.addf %add3A_528, %slice3A_527 : vector<2048x128xf32>
    %slice3A_530 = vector.extract_strided_slice %add3A_28 {offsets = [0, 5760], sizes = [1, 128], strides = [1, 1]} : vector<1x8192xf32> to vector<1x128xf32>
    %add3A_531 = vector.broadcast %slice3A_530 : vector<1x128xf32> to vector<2048x128xf32>
    %add3A_532 = arith.addf %add3A_529, %add3A_531 : vector<2048x128xf32>
    %lt3A_533 = arith.cmpf olt, %add3A_532, %select_n3A_523 : vector<2048x128xf32>
    %select_n3A_534 = arith.select %lt3A_533, %add3A_532, %select_n3A_523 : vector<2048x128xi1>, vector<2048x128xf32>
    %jit3A_535 = arith.constant 1.300000e+01 : f32
    %broadcast_in_dim3A_536 = vector.broadcast %jit3A_535 : f32 to vector<2048x128xf32>
    %select_n3A_537 = arith.select %lt3A_533, %broadcast_in_dim3A_536, %select_n3A_526 : vector<2048x128xi1>, vector<2048x128xf32>
    %slice3A_538 = vector.extract_strided_slice %dot_general3A_8 {offsets = [0, 5888], sizes = [2048, 128], strides = [1, 1]} : vector<2048x8192xf32> to vector<2048x128xf32>
    %add3A_539 = vector.broadcast %add3A_17 : vector<2048x1xf32> to vector<2048x128xf32>
    %add3A_540 = arith.addf %add3A_539, %slice3A_538 : vector<2048x128xf32>
    %slice3A_541 = vector.extract_strided_slice %add3A_28 {offsets = [0, 5888], sizes = [1, 128], strides = [1, 1]} : vector<1x8192xf32> to vector<1x128xf32>
    %add3A_542 = vector.broadcast %slice3A_541 : vector<1x128xf32> to vector<2048x128xf32>
    %add3A_543 = arith.addf %add3A_540, %add3A_542 : vector<2048x128xf32>
    %lt3A_544 = arith.cmpf olt, %add3A_543, %select_n3A_534 : vector<2048x128xf32>
    %select_n3A_545 = arith.select %lt3A_544, %add3A_543, %select_n3A_534 : vector<2048x128xi1>, vector<2048x128xf32>
    %jit3A_546 = arith.constant 1.400000e+01 : f32
    %broadcast_in_dim3A_547 = vector.broadcast %jit3A_546 : f32 to vector<2048x128xf32>
    %select_n3A_548 = arith.select %lt3A_544, %broadcast_in_dim3A_547, %select_n3A_537 : vector<2048x128xi1>, vector<2048x128xf32>
    %slice3A_549 = vector.extract_strided_slice %dot_general3A_8 {offsets = [0, 6016], sizes = [2048, 128], strides = [1, 1]} : vector<2048x8192xf32> to vector<2048x128xf32>
    %add3A_550 = vector.broadcast %add3A_17 : vector<2048x1xf32> to vector<2048x128xf32>
    %add3A_551 = arith.addf %add3A_550, %slice3A_549 : vector<2048x128xf32>
    %slice3A_552 = vector.extract_strided_slice %add3A_28 {offsets = [0, 6016], sizes = [1, 128], strides = [1, 1]} : vector<1x8192xf32> to vector<1x128xf32>
    %add3A_553 = vector.broadcast %slice3A_552 : vector<1x128xf32> to vector<2048x128xf32>
    %add3A_554 = arith.addf %add3A_551, %add3A_553 : vector<2048x128xf32>
    %lt3A_555 = arith.cmpf olt, %add3A_554, %select_n3A_545 : vector<2048x128xf32>
    %select_n3A_556 = arith.select %lt3A_555, %add3A_554, %select_n3A_545 : vector<2048x128xi1>, vector<2048x128xf32>
    %jit3A_557 = arith.constant 1.500000e+01 : f32
    %broadcast_in_dim3A_558 = vector.broadcast %jit3A_557 : f32 to vector<2048x128xf32>
    %select_n3A_559 = arith.select %lt3A_555, %broadcast_in_dim3A_558, %select_n3A_548 : vector<2048x128xi1>, vector<2048x128xf32>
    %slice3A_560 = vector.extract_strided_slice %dot_general3A_8 {offsets = [0, 6144], sizes = [2048, 128], strides = [1, 1]} : vector<2048x8192xf32> to vector<2048x128xf32>
    %add3A_561 = vector.broadcast %add3A_17 : vector<2048x1xf32> to vector<2048x128xf32>
    %add3A_562 = arith.addf %add3A_561, %slice3A_560 : vector<2048x128xf32>
    %slice3A_563 = vector.extract_strided_slice %add3A_28 {offsets = [0, 6144], sizes = [1, 128], strides = [1, 1]} : vector<1x8192xf32> to vector<1x128xf32>
    %add3A_564 = vector.broadcast %slice3A_563 : vector<1x128xf32> to vector<2048x128xf32>
    %add3A_565 = arith.addf %add3A_562, %add3A_564 : vector<2048x128xf32>
    %lt3A_566 = arith.cmpf olt, %add3A_565, %select_n3A_556 : vector<2048x128xf32>
    %select_n3A_567 = arith.select %lt3A_566, %add3A_565, %select_n3A_556 : vector<2048x128xi1>, vector<2048x128xf32>
    %jit3A_568 = arith.constant 1.600000e+01 : f32
    %broadcast_in_dim3A_569 = vector.broadcast %jit3A_568 : f32 to vector<2048x128xf32>
    %select_n3A_570 = arith.select %lt3A_566, %broadcast_in_dim3A_569, %select_n3A_559 : vector<2048x128xi1>, vector<2048x128xf32>
    %slice3A_571 = vector.extract_strided_slice %dot_general3A_8 {offsets = [0, 6272], sizes = [2048, 128], strides = [1, 1]} : vector<2048x8192xf32> to vector<2048x128xf32>
    %add3A_572 = vector.broadcast %add3A_17 : vector<2048x1xf32> to vector<2048x128xf32>
    %add3A_573 = arith.addf %add3A_572, %slice3A_571 : vector<2048x128xf32>
    %slice3A_574 = vector.extract_strided_slice %add3A_28 {offsets = [0, 6272], sizes = [1, 128], strides = [1, 1]} : vector<1x8192xf32> to vector<1x128xf32>
    %add3A_575 = vector.broadcast %slice3A_574 : vector<1x128xf32> to vector<2048x128xf32>
    %add3A_576 = arith.addf %add3A_573, %add3A_575 : vector<2048x128xf32>
    %lt3A_577 = arith.cmpf olt, %add3A_576, %select_n3A_567 : vector<2048x128xf32>
    %select_n3A_578 = arith.select %lt3A_577, %add3A_576, %select_n3A_567 : vector<2048x128xi1>, vector<2048x128xf32>
    %jit3A_579 = arith.constant 1.700000e+01 : f32
    %broadcast_in_dim3A_580 = vector.broadcast %jit3A_579 : f32 to vector<2048x128xf32>
    %select_n3A_581 = arith.select %lt3A_577, %broadcast_in_dim3A_580, %select_n3A_570 : vector<2048x128xi1>, vector<2048x128xf32>
    %slice3A_582 = vector.extract_strided_slice %dot_general3A_8 {offsets = [0, 6400], sizes = [2048, 128], strides = [1, 1]} : vector<2048x8192xf32> to vector<2048x128xf32>
    %add3A_583 = vector.broadcast %add3A_17 : vector<2048x1xf32> to vector<2048x128xf32>
    %add3A_584 = arith.addf %add3A_583, %slice3A_582 : vector<2048x128xf32>
    %slice3A_585 = vector.extract_strided_slice %add3A_28 {offsets = [0, 6400], sizes = [1, 128], strides = [1, 1]} : vector<1x8192xf32> to vector<1x128xf32>
    %add3A_586 = vector.broadcast %slice3A_585 : vector<1x128xf32> to vector<2048x128xf32>
    %add3A_587 = arith.addf %add3A_584, %add3A_586 : vector<2048x128xf32>
    %lt3A_588 = arith.cmpf olt, %add3A_587, %select_n3A_578 : vector<2048x128xf32>
    %select_n3A_589 = arith.select %lt3A_588, %add3A_587, %select_n3A_578 : vector<2048x128xi1>, vector<2048x128xf32>
    %jit3A_590 = arith.constant 1.800000e+01 : f32
    %broadcast_in_dim3A_591 = vector.broadcast %jit3A_590 : f32 to vector<2048x128xf32>
    %select_n3A_592 = arith.select %lt3A_588, %broadcast_in_dim3A_591, %select_n3A_581 : vector<2048x128xi1>, vector<2048x128xf32>
    %slice3A_593 = vector.extract_strided_slice %dot_general3A_8 {offsets = [0, 6528], sizes = [2048, 128], strides = [1, 1]} : vector<2048x8192xf32> to vector<2048x128xf32>
    %add3A_594 = vector.broadcast %add3A_17 : vector<2048x1xf32> to vector<2048x128xf32>
    %add3A_595 = arith.addf %add3A_594, %slice3A_593 : vector<2048x128xf32>
    %slice3A_596 = vector.extract_strided_slice %add3A_28 {offsets = [0, 6528], sizes = [1, 128], strides = [1, 1]} : vector<1x8192xf32> to vector<1x128xf32>
    %add3A_597 = vector.broadcast %slice3A_596 : vector<1x128xf32> to vector<2048x128xf32>
    %add3A_598 = arith.addf %add3A_595, %add3A_597 : vector<2048x128xf32>
    %lt3A_599 = arith.cmpf olt, %add3A_598, %select_n3A_589 : vector<2048x128xf32>
    %select_n3A_600 = arith.select %lt3A_599, %add3A_598, %select_n3A_589 : vector<2048x128xi1>, vector<2048x128xf32>
    %jit3A_601 = arith.constant 1.900000e+01 : f32
    %broadcast_in_dim3A_602 = vector.broadcast %jit3A_601 : f32 to vector<2048x128xf32>
    %select_n3A_603 = arith.select %lt3A_599, %broadcast_in_dim3A_602, %select_n3A_592 : vector<2048x128xi1>, vector<2048x128xf32>
    %slice3A_604 = vector.extract_strided_slice %dot_general3A_8 {offsets = [0, 6656], sizes = [2048, 128], strides = [1, 1]} : vector<2048x8192xf32> to vector<2048x128xf32>
    %add3A_605 = vector.broadcast %add3A_17 : vector<2048x1xf32> to vector<2048x128xf32>
    %add3A_606 = arith.addf %add3A_605, %slice3A_604 : vector<2048x128xf32>
    %slice3A_607 = vector.extract_strided_slice %add3A_28 {offsets = [0, 6656], sizes = [1, 128], strides = [1, 1]} : vector<1x8192xf32> to vector<1x128xf32>
    %add3A_608 = vector.broadcast %slice3A_607 : vector<1x128xf32> to vector<2048x128xf32>
    %add3A_609 = arith.addf %add3A_606, %add3A_608 : vector<2048x128xf32>
    %lt3A_610 = arith.cmpf olt, %add3A_609, %select_n3A_600 : vector<2048x128xf32>
    %select_n3A_611 = arith.select %lt3A_610, %add3A_609, %select_n3A_600 : vector<2048x128xi1>, vector<2048x128xf32>
    %jit3A_612 = arith.constant 2.000000e+01 : f32
    %broadcast_in_dim3A_613 = vector.broadcast %jit3A_612 : f32 to vector<2048x128xf32>
    %select_n3A_614 = arith.select %lt3A_610, %broadcast_in_dim3A_613, %select_n3A_603 : vector<2048x128xi1>, vector<2048x128xf32>
    %slice3A_615 = vector.extract_strided_slice %dot_general3A_8 {offsets = [0, 6784], sizes = [2048, 128], strides = [1, 1]} : vector<2048x8192xf32> to vector<2048x128xf32>
    %add3A_616 = vector.broadcast %add3A_17 : vector<2048x1xf32> to vector<2048x128xf32>
    %add3A_617 = arith.addf %add3A_616, %slice3A_615 : vector<2048x128xf32>
    %slice3A_618 = vector.extract_strided_slice %add3A_28 {offsets = [0, 6784], sizes = [1, 128], strides = [1, 1]} : vector<1x8192xf32> to vector<1x128xf32>
    %add3A_619 = vector.broadcast %slice3A_618 : vector<1x128xf32> to vector<2048x128xf32>
    %add3A_620 = arith.addf %add3A_617, %add3A_619 : vector<2048x128xf32>
    %lt3A_621 = arith.cmpf olt, %add3A_620, %select_n3A_611 : vector<2048x128xf32>
    %select_n3A_622 = arith.select %lt3A_621, %add3A_620, %select_n3A_611 : vector<2048x128xi1>, vector<2048x128xf32>
    %jit3A_623 = arith.constant 2.100000e+01 : f32
    %broadcast_in_dim3A_624 = vector.broadcast %jit3A_623 : f32 to vector<2048x128xf32>
    %select_n3A_625 = arith.select %lt3A_621, %broadcast_in_dim3A_624, %select_n3A_614 : vector<2048x128xi1>, vector<2048x128xf32>
    %slice3A_626 = vector.extract_strided_slice %dot_general3A_8 {offsets = [0, 6912], sizes = [2048, 128], strides = [1, 1]} : vector<2048x8192xf32> to vector<2048x128xf32>
    %add3A_627 = vector.broadcast %add3A_17 : vector<2048x1xf32> to vector<2048x128xf32>
    %add3A_628 = arith.addf %add3A_627, %slice3A_626 : vector<2048x128xf32>
    %slice3A_629 = vector.extract_strided_slice %add3A_28 {offsets = [0, 6912], sizes = [1, 128], strides = [1, 1]} : vector<1x8192xf32> to vector<1x128xf32>
    %add3A_630 = vector.broadcast %slice3A_629 : vector<1x128xf32> to vector<2048x128xf32>
    %add3A_631 = arith.addf %add3A_628, %add3A_630 : vector<2048x128xf32>
    %lt3A_632 = arith.cmpf olt, %add3A_631, %select_n3A_622 : vector<2048x128xf32>
    %select_n3A_633 = arith.select %lt3A_632, %add3A_631, %select_n3A_622 : vector<2048x128xi1>, vector<2048x128xf32>
    %jit3A_634 = arith.constant 2.200000e+01 : f32
    %broadcast_in_dim3A_635 = vector.broadcast %jit3A_634 : f32 to vector<2048x128xf32>
    %select_n3A_636 = arith.select %lt3A_632, %broadcast_in_dim3A_635, %select_n3A_625 : vector<2048x128xi1>, vector<2048x128xf32>
    %slice3A_637 = vector.extract_strided_slice %dot_general3A_8 {offsets = [0, 7040], sizes = [2048, 128], strides = [1, 1]} : vector<2048x8192xf32> to vector<2048x128xf32>
    %add3A_638 = vector.broadcast %add3A_17 : vector<2048x1xf32> to vector<2048x128xf32>
    %add3A_639 = arith.addf %add3A_638, %slice3A_637 : vector<2048x128xf32>
    %slice3A_640 = vector.extract_strided_slice %add3A_28 {offsets = [0, 7040], sizes = [1, 128], strides = [1, 1]} : vector<1x8192xf32> to vector<1x128xf32>
    %add3A_641 = vector.broadcast %slice3A_640 : vector<1x128xf32> to vector<2048x128xf32>
    %add3A_642 = arith.addf %add3A_639, %add3A_641 : vector<2048x128xf32>
    %lt3A_643 = arith.cmpf olt, %add3A_642, %select_n3A_633 : vector<2048x128xf32>
    %select_n3A_644 = arith.select %lt3A_643, %add3A_642, %select_n3A_633 : vector<2048x128xi1>, vector<2048x128xf32>
    %jit3A_645 = arith.constant 2.300000e+01 : f32
    %broadcast_in_dim3A_646 = vector.broadcast %jit3A_645 : f32 to vector<2048x128xf32>
    %select_n3A_647 = arith.select %lt3A_643, %broadcast_in_dim3A_646, %select_n3A_636 : vector<2048x128xi1>, vector<2048x128xf32>
    %slice3A_648 = vector.extract_strided_slice %dot_general3A_8 {offsets = [0, 7168], sizes = [2048, 128], strides = [1, 1]} : vector<2048x8192xf32> to vector<2048x128xf32>
    %add3A_649 = vector.broadcast %add3A_17 : vector<2048x1xf32> to vector<2048x128xf32>
    %add3A_650 = arith.addf %add3A_649, %slice3A_648 : vector<2048x128xf32>
    %slice3A_651 = vector.extract_strided_slice %add3A_28 {offsets = [0, 7168], sizes = [1, 128], strides = [1, 1]} : vector<1x8192xf32> to vector<1x128xf32>
    %add3A_652 = vector.broadcast %slice3A_651 : vector<1x128xf32> to vector<2048x128xf32>
    %add3A_653 = arith.addf %add3A_650, %add3A_652 : vector<2048x128xf32>
    %lt3A_654 = arith.cmpf olt, %add3A_653, %select_n3A_644 : vector<2048x128xf32>
    %select_n3A_655 = arith.select %lt3A_654, %add3A_653, %select_n3A_644 : vector<2048x128xi1>, vector<2048x128xf32>
    %jit3A_656 = arith.constant 2.400000e+01 : f32
    %broadcast_in_dim3A_657 = vector.broadcast %jit3A_656 : f32 to vector<2048x128xf32>
    %select_n3A_658 = arith.select %lt3A_654, %broadcast_in_dim3A_657, %select_n3A_647 : vector<2048x128xi1>, vector<2048x128xf32>
    %slice3A_659 = vector.extract_strided_slice %dot_general3A_8 {offsets = [0, 7296], sizes = [2048, 128], strides = [1, 1]} : vector<2048x8192xf32> to vector<2048x128xf32>
    %add3A_660 = vector.broadcast %add3A_17 : vector<2048x1xf32> to vector<2048x128xf32>
    %add3A_661 = arith.addf %add3A_660, %slice3A_659 : vector<2048x128xf32>
    %slice3A_662 = vector.extract_strided_slice %add3A_28 {offsets = [0, 7296], sizes = [1, 128], strides = [1, 1]} : vector<1x8192xf32> to vector<1x128xf32>
    %add3A_663 = vector.broadcast %slice3A_662 : vector<1x128xf32> to vector<2048x128xf32>
    %add3A_664 = arith.addf %add3A_661, %add3A_663 : vector<2048x128xf32>
    %lt3A_665 = arith.cmpf olt, %add3A_664, %select_n3A_655 : vector<2048x128xf32>
    %select_n3A_666 = arith.select %lt3A_665, %add3A_664, %select_n3A_655 : vector<2048x128xi1>, vector<2048x128xf32>
    %jit3A_667 = arith.constant 2.500000e+01 : f32
    %broadcast_in_dim3A_668 = vector.broadcast %jit3A_667 : f32 to vector<2048x128xf32>
    %select_n3A_669 = arith.select %lt3A_665, %broadcast_in_dim3A_668, %select_n3A_658 : vector<2048x128xi1>, vector<2048x128xf32>
    %slice3A_670 = vector.extract_strided_slice %dot_general3A_8 {offsets = [0, 7424], sizes = [2048, 128], strides = [1, 1]} : vector<2048x8192xf32> to vector<2048x128xf32>
    %add3A_671 = vector.broadcast %add3A_17 : vector<2048x1xf32> to vector<2048x128xf32>
    %add3A_672 = arith.addf %add3A_671, %slice3A_670 : vector<2048x128xf32>
    %slice3A_673 = vector.extract_strided_slice %add3A_28 {offsets = [0, 7424], sizes = [1, 128], strides = [1, 1]} : vector<1x8192xf32> to vector<1x128xf32>
    %add3A_674 = vector.broadcast %slice3A_673 : vector<1x128xf32> to vector<2048x128xf32>
    %add3A_675 = arith.addf %add3A_672, %add3A_674 : vector<2048x128xf32>
    %lt3A_676 = arith.cmpf olt, %add3A_675, %select_n3A_666 : vector<2048x128xf32>
    %select_n3A_677 = arith.select %lt3A_676, %add3A_675, %select_n3A_666 : vector<2048x128xi1>, vector<2048x128xf32>
    %jit3A_678 = arith.constant 2.600000e+01 : f32
    %broadcast_in_dim3A_679 = vector.broadcast %jit3A_678 : f32 to vector<2048x128xf32>
    %select_n3A_680 = arith.select %lt3A_676, %broadcast_in_dim3A_679, %select_n3A_669 : vector<2048x128xi1>, vector<2048x128xf32>
    %slice3A_681 = vector.extract_strided_slice %dot_general3A_8 {offsets = [0, 7552], sizes = [2048, 128], strides = [1, 1]} : vector<2048x8192xf32> to vector<2048x128xf32>
    %add3A_682 = vector.broadcast %add3A_17 : vector<2048x1xf32> to vector<2048x128xf32>
    %add3A_683 = arith.addf %add3A_682, %slice3A_681 : vector<2048x128xf32>
    %slice3A_684 = vector.extract_strided_slice %add3A_28 {offsets = [0, 7552], sizes = [1, 128], strides = [1, 1]} : vector<1x8192xf32> to vector<1x128xf32>
    %add3A_685 = vector.broadcast %slice3A_684 : vector<1x128xf32> to vector<2048x128xf32>
    %add3A_686 = arith.addf %add3A_683, %add3A_685 : vector<2048x128xf32>
    %lt3A_687 = arith.cmpf olt, %add3A_686, %select_n3A_677 : vector<2048x128xf32>
    %select_n3A_688 = arith.select %lt3A_687, %add3A_686, %select_n3A_677 : vector<2048x128xi1>, vector<2048x128xf32>
    %jit3A_689 = arith.constant 2.700000e+01 : f32
    %broadcast_in_dim3A_690 = vector.broadcast %jit3A_689 : f32 to vector<2048x128xf32>
    %select_n3A_691 = arith.select %lt3A_687, %broadcast_in_dim3A_690, %select_n3A_680 : vector<2048x128xi1>, vector<2048x128xf32>
    %slice3A_692 = vector.extract_strided_slice %dot_general3A_8 {offsets = [0, 7680], sizes = [2048, 128], strides = [1, 1]} : vector<2048x8192xf32> to vector<2048x128xf32>
    %add3A_693 = vector.broadcast %add3A_17 : vector<2048x1xf32> to vector<2048x128xf32>
    %add3A_694 = arith.addf %add3A_693, %slice3A_692 : vector<2048x128xf32>
    %slice3A_695 = vector.extract_strided_slice %add3A_28 {offsets = [0, 7680], sizes = [1, 128], strides = [1, 1]} : vector<1x8192xf32> to vector<1x128xf32>
    %add3A_696 = vector.broadcast %slice3A_695 : vector<1x128xf32> to vector<2048x128xf32>
    %add3A_697 = arith.addf %add3A_694, %add3A_696 : vector<2048x128xf32>
    %lt3A_698 = arith.cmpf olt, %add3A_697, %select_n3A_688 : vector<2048x128xf32>
    %select_n3A_699 = arith.select %lt3A_698, %add3A_697, %select_n3A_688 : vector<2048x128xi1>, vector<2048x128xf32>
    %jit3A_700 = arith.constant 2.800000e+01 : f32
    %broadcast_in_dim3A_701 = vector.broadcast %jit3A_700 : f32 to vector<2048x128xf32>
    %select_n3A_702 = arith.select %lt3A_698, %broadcast_in_dim3A_701, %select_n3A_691 : vector<2048x128xi1>, vector<2048x128xf32>
    %slice3A_703 = vector.extract_strided_slice %dot_general3A_8 {offsets = [0, 7808], sizes = [2048, 128], strides = [1, 1]} : vector<2048x8192xf32> to vector<2048x128xf32>
    %add3A_704 = vector.broadcast %add3A_17 : vector<2048x1xf32> to vector<2048x128xf32>
    %add3A_705 = arith.addf %add3A_704, %slice3A_703 : vector<2048x128xf32>
    %slice3A_706 = vector.extract_strided_slice %add3A_28 {offsets = [0, 7808], sizes = [1, 128], strides = [1, 1]} : vector<1x8192xf32> to vector<1x128xf32>
    %add3A_707 = vector.broadcast %slice3A_706 : vector<1x128xf32> to vector<2048x128xf32>
    %add3A_708 = arith.addf %add3A_705, %add3A_707 : vector<2048x128xf32>
    %lt3A_709 = arith.cmpf olt, %add3A_708, %select_n3A_699 : vector<2048x128xf32>
    %select_n3A_710 = arith.select %lt3A_709, %add3A_708, %select_n3A_699 : vector<2048x128xi1>, vector<2048x128xf32>
    %jit3A_711 = arith.constant 2.900000e+01 : f32
    %broadcast_in_dim3A_712 = vector.broadcast %jit3A_711 : f32 to vector<2048x128xf32>
    %select_n3A_713 = arith.select %lt3A_709, %broadcast_in_dim3A_712, %select_n3A_702 : vector<2048x128xi1>, vector<2048x128xf32>
    %slice3A_714 = vector.extract_strided_slice %dot_general3A_8 {offsets = [0, 7936], sizes = [2048, 128], strides = [1, 1]} : vector<2048x8192xf32> to vector<2048x128xf32>
    %add3A_715 = vector.broadcast %add3A_17 : vector<2048x1xf32> to vector<2048x128xf32>
    %add3A_716 = arith.addf %add3A_715, %slice3A_714 : vector<2048x128xf32>
    %slice3A_717 = vector.extract_strided_slice %add3A_28 {offsets = [0, 7936], sizes = [1, 128], strides = [1, 1]} : vector<1x8192xf32> to vector<1x128xf32>
    %add3A_718 = vector.broadcast %slice3A_717 : vector<1x128xf32> to vector<2048x128xf32>
    %add3A_719 = arith.addf %add3A_716, %add3A_718 : vector<2048x128xf32>
    %lt3A_720 = arith.cmpf olt, %add3A_719, %select_n3A_710 : vector<2048x128xf32>
    %select_n3A_721 = arith.select %lt3A_720, %add3A_719, %select_n3A_710 : vector<2048x128xi1>, vector<2048x128xf32>
    %jit3A_722 = arith.constant 3.000000e+01 : f32
    %broadcast_in_dim3A_723 = vector.broadcast %jit3A_722 : f32 to vector<2048x128xf32>
    %select_n3A_724 = arith.select %lt3A_720, %broadcast_in_dim3A_723, %select_n3A_713 : vector<2048x128xi1>, vector<2048x128xf32>
    %slice3A_725 = vector.extract_strided_slice %dot_general3A_8 {offsets = [0, 8064], sizes = [2048, 128], strides = [1, 1]} : vector<2048x8192xf32> to vector<2048x128xf32>
    %add3A_726 = vector.broadcast %add3A_17 : vector<2048x1xf32> to vector<2048x128xf32>
    %add3A_727 = arith.addf %add3A_726, %slice3A_725 : vector<2048x128xf32>
    %slice3A_728 = vector.extract_strided_slice %add3A_28 {offsets = [0, 8064], sizes = [1, 128], strides = [1, 1]} : vector<1x8192xf32> to vector<1x128xf32>
    %add3A_729 = vector.broadcast %slice3A_728 : vector<1x128xf32> to vector<2048x128xf32>
    %add3A_730 = arith.addf %add3A_727, %add3A_729 : vector<2048x128xf32>
    %lt3A_731 = arith.cmpf olt, %add3A_730, %select_n3A_721 : vector<2048x128xf32>
    %select_n3A_732 = arith.select %lt3A_731, %add3A_730, %select_n3A_721 : vector<2048x128xi1>, vector<2048x128xf32>
    %jit3A_733 = arith.constant 3.100000e+01 : f32
    %broadcast_in_dim3A_734 = vector.broadcast %jit3A_733 : f32 to vector<2048x128xf32>
    %select_n3A_735 = arith.select %lt3A_731, %broadcast_in_dim3A_734, %select_n3A_724 : vector<2048x128xi1>, vector<2048x128xf32>
    %mul3A_736 = arith.constant 1.280000e+02 : f32
    %mul3A_737 = vector.broadcast %mul3A_736 : f32 to vector<2048x128xf32>
    %mul3A_738 = arith.mulf %select_n3A_735, %mul3A_737 : vector<2048x128xf32>
    %add3A_739 = arith.addf %mul3A_738, %convert_element_type3A_29 : vector<2048x128xf32>
    %reduce_min3A_740 = arith.constant dense<0x7F800000> : vector<2048xf32>
    %reduce_min3A_741 = vector.multi_reduction <minimumf>, %select_n3A_732, %reduce_min3A_740 [1] : vector<2048x128xf32> to vector<2048xf32>
    %broadcast_in_dim3A_742 = vector.shape_cast %reduce_min3A_741 : vector<2048xf32> to vector<2048x1xf32>
    %eq3A_743 = vector.broadcast %broadcast_in_dim3A_742 : vector<2048x1xf32> to vector<2048x128xf32>
    %eq3A_744 = arith.cmpf oeq, %select_n3A_732, %eq3A_743 : vector<2048x128xf32>
    %jit3A_745 = arith.constant 1.000000e+09 : f32
    %broadcast_in_dim3A_746 = vector.broadcast %jit3A_745 : f32 to vector<2048x128xf32>
    %select_n3A_747 = arith.select %eq3A_744, %add3A_739, %broadcast_in_dim3A_746 : vector<2048x128xi1>, vector<2048x128xf32>
    %reduce_min3A_748 = arith.constant dense<0x7F800000> : vector<2048xf32>
    %reduce_min3A_749 = vector.multi_reduction <minimumf>, %select_n3A_747, %reduce_min3A_748 [1] : vector<2048x128xf32> to vector<2048xf32>
    %convert_element_type3A_750 = arith.truncf %broadcast_in_dim3A_380 : vector<2048x1xf32> to vector<2048x1xbf16>
    %convert_element_type3A_751 = arith.extf %convert_element_type3A_750 : vector<2048x1xbf16> to vector<2048x1xf32>
    %lt3A_752 = arith.cmpf olt, %broadcast_in_dim3A_742, %convert_element_type3A_751 : vector<2048x1xf32>
    %squeeze3A = vector.shape_cast %lt3A_752 : vector<2048x1xi1> to vector<2048xi1>
    %add3A_753 = arith.constant 4.096000e+03 : f32
    %add3A_754 = vector.broadcast %add3A_753 : f32 to vector<2048xf32>
    %add3A_755 = arith.addf %reduce_min3A_749, %add3A_754 : vector<2048xf32>
    %select_n3A_756 = arith.select %squeeze3A, %add3A_755, %reduce_min3A_386 : vector<2048xi1>, vector<2048xf32>
    %convert_element_type3A_757 = arith.fptosi %select_n3A_756 : vector<2048xf32> to vector<2048xi32>
    %broadcast_in_dim3A_758 = vector.shape_cast %convert_element_type3A_757 : vector<2048xi32> to vector<2048x1xi32>
    %swap3A = arith.constant 0 : index
    %swap3A_759 = arith.constant 0 : index
    %swap3A_760 = vector.load %arg3[%swap3A, %swap3A_759] : memref<2048x1xi32, #tpu.memory_space<vmem>>, vector<2048x1xi32>
    tpu.vector_store %arg3[%swap3A, %swap3A_759], %broadcast_in_dim3A_758 {strides = array<i32>} : memref<2048x1xi32, #tpu.memory_space<vmem>>, vector<2048x1xi32>,
    return
  }
  func.func @transform_0(%arg0: i32) -> (i32, i32) {
    %c0_i32 = arith.constant 0 : i32
    %c0_i32_0 = arith.constant 0 : i32
    return %arg0, %c0_i32 : i32, i32
  }
  func.func @transform_1(%arg0: i32) -> (i32, i32) {
    %c0_i32 = arith.constant 0 : i32
    %c0_i32_0 = arith.constant 0 : i32
    %c0_i32_1 = arith.constant 0 : i32
    return %c0_i32, %c0_i32_0 : i32, i32
  }
  func.func @transform_2(%arg0: i32) -> (i32, i32) {
    %c0_i32 = arith.constant 0 : i32
    %c0_i32_0 = arith.constant 0 : i32
    return %arg0, %c0_i32 : i32, i32
  }
}

</mosaic_0001>

<sc_bundles>
// kernel: kernel.4.cloned.1.call-start
scs
__scs_entry_jumppad:
0x0: {  	(pc) =	sbr.rel $0x88, $3  }
0x1: {  	(tag) =	ssettag $0x0;
	lr =	simm.s32 $0x1  }
0x2: {  	[smem:$0x3F9E] =	sst lr;
	_ =	strace $0xD0000000  }
0x3: {  	_ = 	snop  }
0x4: {  	_ = 	snop  }
0x5: {  	_ = 	snop  }
0x6: {  	_ = 	snop  }
0x7: {  	_ = 	snop  }
__scs_overlays_trampoline_lowered:
0x8: {  	[smem:$0x3FAD] =	sst s0  }
0x9: {  	[smem:$0x3FAE] =	sst s1  }
0xa: {  	[smem:$0x3FAF] =	sst s2  }
0xb: {  	[smem:$0x3FB0] =	sst s3  }
0xc: {  	[smem:$0x3FB1] =	sst s4  }
0xd: {  	[smem:$0x3FB2] =	sst s5  }
0xe: {  	[smem:$0x3FB3] =	sst s6  }
0xf: {  	[smem:$0x3FB4] =	sst s7  }
0x10: {  	[smem:$0x3FB5] =	sst s8  }
0x11: {  	[smem:$0x3FB6] =	sst s9;
	s0 =	simm.s32 @!p0 $0x0  }
0x12: {  	s1 =	sld [smem:$0x3F9C];
	s0 =	simm.s32 @p0 $0x1  }
0x13: {  	[smem:$0x3FB7] =	sst s0;
	s0 =	simm.s32 @!p1 $0x0  }
0x14: {  	s2 =	sld [smem:$0x3F9B];
	s0 =	simm.s32 @p1 $0x1  }
0x15: {  	[smem:$0x3FB8] =	sst s0;
	s0 =	simm.s32 @!p2 $0x0  }
0x16: {  	s3 =	sld [smem:$0x3FDB];
	s0 =	simm.s32 @p2 $0x1  }
0x17: {  	s4 =	simm.s32 $0x1BF5;
	[smem:$0x3FBA] =	sst s0  }
0x18: {  	s0 =	sld [smem:$0x3F9D];
	_ =	swait.ge [sflag:s4], $0x0  }
0x19: {  	s7 =	sld [smem:$0x3F9E]  }
0x1a: {  	s8 =	sadd.s32 $0xFFFFE003, lr  }
0x1b: {  	s9 =	sadd.s32 $0xFFFFFEF7, lr;
	s5 =	simm.s32 $0xFFFFFFFF;
	p2 =	slt.u32 s8, $0xFFFFF086  }
0x1c: {  	p1 =	slt.u32 s9, $0xF7A;
	s5 =	simm.s32 @!p2 $0x0  }
0x1d: {  	s5 =	simm.s32 @p1 $0x1;
	p0 =	seq.s32 s7, s2  }
0x1e: {  	s7 =	smul.u32 @!p0 $0xF7A, s2;
	p2 =	seq.s32 @!p0 s5, $0x0  }
0x1f: {  	s9 =	smul.u32 $0xF7A, s1;
	s8 =	simm.s32 @!p0 $0x1BF5;
	p2 =	por !p2, p0  }
0x20: {  	[sflag:s8] =	ssyncset.s32 @!p0 $0xFFFFF086;
	s6 =	sadd.s32 @!p0 s3, s7;
	s7 =	simm.s32 @!p0 $0x108  }
0x21: {  	s3 =	sadd.s32 s3, s9;
	s6 =	sadd.s32 @!p0 $0x88, s6;
	s7 =	simm.s32 @p2 $0x1082  }
0x22: {  	[simem:s7], [sflag:s8] =	dma.local @!p0 [hbm:s6], $0xF7A  }
0x23: {  	s9 =	sor.u32 $0xD0000000, s2;
	s6 =	simm.s32 $0x108;
	_ =	swait.ge @!p0 [sflag:s8], $0x0  }
0x24: {  	s3 =	sadd.s32 $0x88, s3;
	s6 =	simm.s32 @!p1 $0x1082;
	[sflag:s4] =	ssyncset.s32 $0xFFFFF086  }
0x25: {  	[simem:s6], [sflag:s4] =	dma.local [hbm:s3], $0xF7A  }
0x26: {  	[smem:$0x3F9E] =	sst s1;
	(tag) =	ssettag s2;
	_ =	strace s9  }
0x27: {  	s1 =	sld [smem:$0x3FAE]  }
0x28: {  	s2 =	sld [smem:$0x3FAF]  }
0x29: {  	s4 =	sld [smem:$0x3FB1]  }
0x2a: {  	p0 =	seq.s32 s5, $0x0;
	s5 =	sld [smem:$0x3FB2]  }
0x2b: {  	s6 =	sld [smem:$0x3FB3]  }
0x2c: {  	s7 =	sld [smem:$0x3FB4]  }
0x2d: {  	s3 =	simm.s32 $0x108;
	s8 =	sld [smem:$0x3FB5]  }
0x2e: {  	s3 =	simm.s32 @!p0 $0x1082;
	s9 =	sld [smem:$0x3FB6]  }
0x2f: {  	lr =	sadd.s32 s0, s3;
	s0 =	sld [smem:$0x3FAD]  }
0x30: {  	s3 =	sld [smem:$0x3FB0]  }
0x31: {  	[smem:$0x3FB9] =	sst s10  }
0x32: {  	s10 =	sld [smem:$0x3FB7];
	_ =	sdelay $0x3  }
0x33: {  	p0 =	seq.s32 s10, $0x1;
	s10 =	sld [smem:$0x3FB9];
	_ =	sdelay $0x3  }
0x34: {  	[smem:$0x3FB9] =	sst s10  }
0x35: {  	s10 =	sld [smem:$0x3FB8];
	_ =	sdelay $0x3  }
0x36: {  	p1 =	seq.s32 s10, $0x1;
	s10 =	sld [smem:$0x3FB9];
	_ =	sdelay $0x3  }
0x37: {  	[smem:$0x3FB9] =	sst s10  }
0x38: {  	s10 =	sld [smem:$0x3FBA]  }
0x39: {  	_ = 	snop;
	(pc) =	sbr.ind lr, $3  }
0x3a: {  	_ = 	snop  }
0x3b: {  	_ = 	snop  }
0x3c: {  	p2 =	seq.s32 s10, $0x1;
	s10 =	sld [smem:$0x3FB9]  }
0x3d: {  	_ =	shalt  }
0x3e: {  	_ =	shalt  }
0x3f: {  	_ =	shalt  }
0x40: {  	_ =	shalt  }
0x41: {  	_ =	shalt  }
0x42: {  	_ =	shalt  }
0x43: {  	_ =	shalt  }
0x44: {  	_ =	shalt  }
0x45: {  	_ =	shalt  }
0x46: {  	_ =	shalt  }
0x47: {  	_ =	shalt  }
0x48: {  	_ =	shalt  }
0x49: {  	_ =	shalt  }
0x4a: {  	_ =	shalt  }
0x4b: {  	_ =	shalt  }
0x4c: {  	_ =	shalt  }
0x4d: {  	_ =	shalt  }
0x4e: {  	_ =	shalt  }
0x4f: {  	_ =	shalt  }
0x50: {  	_ =	shalt  }
0x51: {  	_ =	shalt  }
0x52: {  	_ =	shalt  }
0x53: {  	_ =	shalt  }
0x54: {  	_ =	shalt  }
0x55: {  	_ =	shalt  }
0x56: {  	_ =	shalt  }
0x57: {  	_ =	shalt  }
0x58: {  	_ =	shalt  }
0x59: {  	_ =	shalt  }
0x5a: {  	_ =	shalt  }
0x5b: {  	_ =	shalt  }
0x5c: {  	_ =	shalt  }
0x5d: {  	_ =	shalt  }
0x5e: {  	_ =	shalt  }
0x5f: {  	_ =	shalt  }
0x60: {  	_ =	shalt  }
0x61: {  	_ =	shalt  }
0x62: {  	_ =	shalt  }
0x63: {  	_ =	shalt  }
0x64: {  	_ =	shalt  }
0x65: {  	_ =	shalt  }
0x66: {  	_ =	shalt  }
0x67: {  	_ =	shalt  }
0x68: {  	_ =	shalt  }
0x69: {  	_ =	shalt  }
0x6a: {  	_ =	shalt  }
0x6b: {  	_ =	shalt  }
0x6c: {  	_ =	shalt  }
0x6d: {  	_ =	shalt  }
0x6e: {  	_ =	shalt  }
0x6f: {  	_ =	shalt  }
0x70: {  	_ =	shalt  }
0x71: {  	_ =	shalt  }
0x72: {  	_ =	shalt  }
0x73: {  	_ =	shalt  }
0x74: {  	_ =	shalt  }
0x75: {  	_ =	shalt  }
0x76: {  	_ =	shalt  }
0x77: {  	_ =	shalt  }
0x78: {  	_ =	shalt  }
0x79: {  	_ =	shalt  }
0x7a: {  	_ =	shalt  }
0x7b: {  	_ =	shalt  }
0x7c: {  	_ =	shalt  }
0x7d: {  	_ =	shalt  }
0x7e: {  	_ =	shalt  }
0x7f: {  	_ =	shalt  }
0x80: {  	_ =	shalt  }
0x81: {  	_ =	shalt  }
0x82: {  	_ =	shalt  }
0x83: {  	_ =	shalt  }
0x84: {  	_ =	shalt  }
0x85: {  	_ =	shalt  }
0x86: {  	_ =	shalt  }
0x87: {  	_ =	shalt  }
.Lfunc_end0:
.L_simem_size_0:
called_computation_lowered:
.L_overlay_start_0:
0x88: {  	s2 =	sld [smem:$0x3FD9]  }
0x89: {  	s3 =	sld [smem:$0x3FFE];
	_ =	sdelay $0x1  }
0x8a: {  	s1 =	srdreg.scid  }
0x8b: {  	s0 =	sand.u32 $0x1, s1  }
0x8c: {  	s15 =	sshll.u32 s0, $0xA;
	s2 =	sadd.s32 s3, s2  }
0x8d: {  	s2 =	sadd.s32 s2, s15  }
0x8e: {  	[smem:$0x3FC5] =	sst s2  }
0x8f: {  	_ = 	snop  }
0x90: {  	s2 =	sld [smem:$0x3FD0];
	_ =	sdelay $0x2  }
0x91: {  	s4 =	simm.s32 $0xA;
	s5 =	simm.s32 $0x10;
	s16 =	sld [smem:$0x3FC7]  }
0x92: {  	[smem:s5], [sflag:s4] =	dma.local [hbm:s2], $0x1  }
0x93: {  	_ =	swait.eq [sflag:s4], $0x1  }
0x94: {  	[sflag:s4] =	ssyncset.done $0x0  }
0x95: {  	s17 =	sld [smem:$0x10];
	[sflag:s4] =	ssyncadd.s32 $0xFFFFFFFF  }
0x96: {  	s18 =	sld [smem:$0x11];
	(tm) =	ssettm $0x1  }
0x97: {  	s19 =	sld [smem:$0x3FFB];
	_ =	sdelay $0x3  }
0x98: {  	_ =	strace s19  }
0x99: {  	s5 =	sld [smem:$0x3FFC];
	_ =	sdelay $0x3  }
0x9a: {  	_ =	strace s5  }
0x9b: {  	s5 =	sld [smem:$0x3FFD];
	_ =	sdelay $0x3  }
0x9c: {  	_ =	strace s5  }
0x9d: {  	_ =	strace $0x8FFFFFFF  }
0x9e: {  	s20 =	sld [smem:$0x3FDB];
	_ =	sdelay $0x1  }
0x9f: {  	s6 =	simm.s32 $_scs_section_size  }
0xa0: {  	s7 =	simm.s32 $_size__tile_overlayer_lowered;
	s8 =	simm.s32 $_tile_overlayer_lowered  }
0xa1: {  	s23 =	simm.s32 $0x1BFF;
	s22 =	sshll.u32 s8, $0x1;
	s5 =	sadd.s32 s6, s20  }
0xa2: {  	s9 =	simm.s32 $0x0;
	s21 =	sshll.u32 s7, $0x1;
	s7 =	sadd.s32 s22, s5  }
0xa3: {  	[timem:s9], [sflag:s23] =	dma.local [hbm:s7], s21  }
0xa4: {  	_ =	swait.ge [sflag:s23], s21  }
0xa5: {  	s6 =	ssub.s32 $0x0, s21;
	[sflag:s23] =	ssyncset.done $0x0  }
0xa6: {  	[sflag:s23] =	ssyncadd.s32 s6;
	_ =	sdelay $0x1  }
0xa7: {  	s24 =	simm.s32 $0x1B8B  }
0xa8: {  	_ =	swait.ge [sflag:s24], $0x1  }
0xa9: {  	[sflag:s24] =	ssyncset.done $0x0  }
0xaa: {  	s25 =	simm.s32 $0x1B8E;
	[sflag:s24] =	ssyncadd.s32 $0xFFFFFFFF  }
0xab: {  	s26 =	simm.s32 $execute0_lowered;
	[smem:$0x3FD2] =	sst s25  }
0xac: {  	s6 =	sshll.u32 s26, $0x1;
	_ =	strace $0x80000046;
	[dreg:$0x1] =	wrdreg $0xFFFFFFFF  }
0xad: {  	s28 =	simm.s32 $_size_execute0_lowered;
	s5 =	sadd.s32 s5, s6;
	[dreg:$0x0] =	wrdreg $0x0  }
0xae: {  	s6 =	sshll.u32 s28, $0x1;
	[dreg:$0x2] =	wrdreg s5  }
0xaf: {  	[dreg:$0x3] =	wrdreg s6  }
0xb0: {  	[dreg:$0x4] =	wrdreg $0xC0  }
0xb1: {  	_ =	task [dreg:s9], $0x5FFFF  }
0xb2: {  	[dreg:$0x1] =	wrdreg $0xFFFFFFFF  }
0xb3: {  	[dreg:$0x0] =	wrdreg $0x60  }
0xb4: {  	[dreg:$0x2] =	wrdreg s16  }
0xb5: {  	[dreg:$0x3] =	wrdreg s17  }
0xb6: {  	[dreg:$0x4] =	wrdreg s18  }
0xb7: {  	[dreg:$0x5] =	wrdreg $0x9  }
0xb8: {  	_ =	task.clear_ibuf [dreg:s9], $0x6FFFF;
	_ =	strace $0x90000046  }
0xb9: {  	s29 =	simm.s32 $0x9;
	_ =	strace $0x80000048  }
0xba: {  	_ =	swait.ge [sflag:s29], $0x1  }
0xbb: {  	[sflag:s29] =	ssyncadd.s32 $0xFFFFFFFF  }
0xbc: {  	_ =	strace $0x90000048  }
0xbd: {  	_ =	sfence  }
0xbe: {  	s30 =	sld [smem:$0x0];
	_ =	sdelay $0x2  }
0xbf: {  	s31 =	sshll.u32 s1, $0xD;
	s1 =	sshrl.u32 s1, $0x2  }
0xc0: {  	s3 =	sand.u32 $0x4000, s31;
	s1 =	sadd.s32 s1, s30  }
0xc1: {  	s0 =	sor.u32 s3, s0;
	s1 =	sshll.u32 s1, $0x11  }
0xc2: {  	s0 =	sor.u32 s1, s0  }
0xc3: {  	s0 =	sadd.s32 $0x8F2B, s0  }
0xc4: {  	[sflag:s0] =	ssyncadd.remote.s32 $0x1  }
0xc5: {  	_ =	sfence.sel $0xFFFF  }
0xc6: {  	[dreg:$0x0] =	wrdreg $0xFFFFFFFF;
	(pc) =	sbr.abs _section_cstart, $3  }
0xc7: {  	[dreg:$0x1] =	wrdreg $0xFFFFFFFF  }
0xc8: {  	_ =	task.clear_ibuf [dreg:s9], $0x2FFFF;
	_ =	strace $0x9FFFFFFF  }
0xc9: {  	(tm) =	ssettm $0x7FFFFFFF  }
tec
execute0_lowered:
.L_overlay_start_1:
0x0: {  	(tag) =	ssettag $0x1  }
0x1: {  	s1 =	rddreg [dreg:$0x0];
	s3 =	srdreg.scid  }
0x2: {  	s0 =	rddreg [dreg:$0x1];
	s5 =	stileid.u32;
	s4 =	sand.u32 $0x1, s3  }
0x3: {  	s2 =	rddreg [dreg:$0x2];
	s5 =	sshll.u32 s5, $0xA;
	s6 =	sshll.u32 s4, $0x9  }
0x4: {  	s7 =	simm.s32 $0x2;
	s24 =	simm.s32 $0x200;
	s5 =	sor.u32 s6, s5  }
0x5: {  	s15 =	simm.s32 $0x1;
	s3 =	simm.s32 $0x0;
	s6 =	sshrl.u32 s5, $0x3  }
0x6: {  	[smem:$0x7FF] =	sst s3;
	s5 =	sshll.u32 s5, $0x6;
	s0 =	sadd.s32 s0, s6  }
0x7: {  	_ =	strace $0x80000047;
	s26 =	sadd.s32 s2, s5;
	[dreg:$0x4] =	wrdreg s0  }
0x8: {  	s4 =	ssub.s32 $0x2, s4;
	s29 =	sadd.s32 $0x2000, s26;
	[dreg:$0x8] =	wrdreg s26  }
0x9: {  	v2 =	vlaneseq.u32;
	s28 =	sshrl.u32 s4, $0x1;
	s30 =	sadd.s32 $0x4000, s26;
	[dreg:$0x5] =	wrdreg s29  }
0xa: {  	vm0 =	vmmov $0xffff;
	v1 =	vshrl.u32 v2, $0x3;
	s2 =	ssub.s32 s4, s28;
	s31 =	sadd.s32 $0x6000, s26;
	[dreg:$0x6] =	wrdreg s30  }
0xb: {  	v0 =	vand.u32 $0x7, v2;
	v2 =	vor.u32 $0x8, v2;
	v1 =	vmul.u32 $0x8, v1;
	s5 =	sadd.s32 $0x100, s1;
	s6 =	smax.u32 s2, $0x1;
	[dreg:$0x7] =	wrdreg s31  }
.LBB2_1:
0xc: {  	s16 =	rddreg [dreg:$0x4]  }
0xd: {  	[tilespmem:s3], [sflag:$0x2] =	stream.linear.gather [hbm4b:s16+s3], $0x200, $0x38;
	[tilespmem:$0x10200] =	vst v63  }
0xe: {  	_ =	swait.ge [sflag:s7], $0x200  }
0xf: {  	[sflag:s7] =	ssyncset.done $0x0  }
0x10: {  	[sflag:s7] =	ssyncadd.s32 $0xFFFFFE00  }
0x11: {  	v3 =	vld [tilespmem:$0x0];
	_ =	sdelay $0x4  }
0x12: {  	v4 =	vshll.u32 v3, $0x2  }
0x13: {  	v3 =	vand.u32 $0x7, v3;
	v4 =	vand.u32 $0xFFFFFFE0, v4  }
0x14: {  	v3 =	vor.u32 v3, v4  }
0x15: {  	v4 =	vperm.xlane v3, v0;
	_ =	sdelay $0x1  }
0x16: {  	v4 =	vadd.s32 v1, v4;
	_ =	sdelay $0x1  }
0x17: {  	v3 =	vperm.xlane v3, v2;
	_ =	sdelay $0x1  }
0x18: {  	v3 =	vadd.s32 v1, v3  }
0x19: {  	[tilespmem:s24], [sflag:$0x1] =	stream.indirect_vreg.gather [hbm4b:s1+s3], $0x80, v4, vm0, $0xb8;
	[tilespmem:$0x10200] =	vst v63  }
0x1a: {  	s0 =	simm.s32 $0xA00  }
0x1b: {  	[tilespmem:s0], [sflag:$0x1] =	stream.indirect_vreg.gather [hbm4b:s5+s3], $0x80, v4, vm0, $0xb8;
	[tilespmem:$0x10200] =	vst v63  }
0x1c: {  	s25 =	simm.s32 $0x1200  }
0x1d: {  	[tilespmem:s25], [sflag:$0x1] =	stream.indirect_vreg.gather [hbm4b:s1+s3], $0x80, v3, vm0, $0xb8;
	[tilespmem:$0x10200] =	vst v63  }
0x1e: {  	s26 =	simm.s32 $0x1A00  }
0x1f: {  	[tilespmem:s26], [sflag:$0x1] =	stream.indirect_vreg.gather [hbm4b:s5+s3], $0x80, v3, vm0, $0xb8;
	[tilespmem:$0x10200] =	vst v63  }
0x20: {  	v3 =	vld [tilespmem:$0x10];
	_ =	sdelay $0x4  }
0x21: {  	v33 =	vshll.u32 v3, $0x2  }
0x22: {  	v3 =	vand.u32 $0x7, v3;
	v4 =	vand.u32 $0xFFFFFFE0, v33  }
0x23: {  	v3 =	vor.u32 v3, v4  }
0x24: {  	v4 =	vperm.xlane v3, v0;
	_ =	sdelay $0x1  }
0x25: {  	v4 =	vadd.s32 v1, v4;
	_ =	sdelay $0x1  }
0x26: {  	v3 =	vperm.xlane v3, v2;
	_ =	sdelay $0x1  }
0x27: {  	s28 =	simm.s32 $0x2200;
	v3 =	vadd.s32 v1, v3  }
0x28: {  	[tilespmem:s28], [sflag:$0x1] =	stream.indirect_vreg.gather [hbm4b:s1+s3], $0x80, v4, vm0, $0xb8;
	[tilespmem:$0x10200] =	vst v63  }
0x29: {  	s29 =	simm.s32 $0x2A00  }
0x2a: {  	[tilespmem:s29], [sflag:$0x1] =	stream.indirect_vreg.gather [hbm4b:s5+s3], $0x80, v4, vm0, $0xb8;
	[tilespmem:$0x10200] =	vst v63  }
0x2b: {  	s30 =	simm.s32 $0x3200  }
0x2c: {  	[tilespmem:s30], [sflag:$0x1] =	stream.indirect_vreg.gather [hbm4b:s1+s3], $0x80, v3, vm0, $0xb8;
	[tilespmem:$0x10200] =	vst v63  }
0x2d: {  	s31 =	simm.s32 $0x3A00  }
0x2e: {  	[tilespmem:s31], [sflag:$0x1] =	stream.indirect_vreg.gather [hbm4b:s5+s3], $0x80, v3, vm0, $0xb8;
	[tilespmem:$0x10200] =	vst v63  }
0x2f: {  	v3 =	vld [tilespmem:$0x20];
	_ =	sdelay $0x4  }
0x30: {  	v34 =	vshll.u32 v3, $0x2  }
0x31: {  	v3 =	vand.u32 $0x7, v3;
	v4 =	vand.u32 $0xFFFFFFE0, v34  }
0x32: {  	v3 =	vor.u32 v3, v4  }
0x33: {  	v4 =	vperm.xlane v3, v0;
	_ =	sdelay $0x1  }
0x34: {  	v4 =	vadd.s32 v1, v4;
	_ =	sdelay $0x1  }
0x35: {  	v3 =	vperm.xlane v3, v2;
	_ =	sdelay $0x1  }
0x36: {  	s10 =	simm.s32 $0x4200;
	v3 =	vadd.s32 v1, v3  }
0x37: {  	[tilespmem:s10], [sflag:$0x1] =	stream.indirect_vreg.gather [hbm4b:s1+s3], $0x80, v4, vm0, $0xb8;
	[tilespmem:$0x10200] =	vst v63  }
0x38: {  	s13 =	simm.s32 $0x4A00  }
0x39: {  	[tilespmem:s13], [sflag:$0x1] =	stream.indirect_vreg.gather [hbm4b:s5+s3], $0x80, v4, vm0, $0xb8;
	[tilespmem:$0x10200] =	vst v63  }
0x3a: {  	s14 =	simm.s32 $0x5200  }
0x3b: {  	[tilespmem:s14], [sflag:$0x1] =	stream.indirect_vreg.gather [hbm4b:s1+s3], $0x80, v3, vm0, $0xb8;
	[tilespmem:$0x10200] =	vst v63  }
0x3c: {  	s16 =	simm.s32 $0x5A00  }
0x3d: {  	[tilespmem:s16], [sflag:$0x1] =	stream.indirect_vreg.gather [hbm4b:s5+s3], $0x80, v3, vm0, $0xb8;
	[tilespmem:$0x10200] =	vst v63  }
0x3e: {  	v3 =	vld [tilespmem:$0x30];
	_ =	sdelay $0x4  }
0x3f: {  	v35 =	vshll.u32 v3, $0x2  }
0x40: {  	v3 =	vand.u32 $0x7, v3;
	v4 =	vand.u32 $0xFFFFFFE0, v35  }
0x41: {  	v3 =	vor.u32 v3, v4  }
0x42: {  	v4 =	vperm.xlane v3, v0;
	_ =	sdelay $0x1  }
0x43: {  	v4 =	vadd.s32 v1, v4;
	_ =	sdelay $0x1  }
0x44: {  	v3 =	vperm.xlane v3, v2;
	_ =	sdelay $0x1  }
0x45: {  	s17 =	simm.s32 $0x6200;
	v3 =	vadd.s32 v1, v3  }
0x46: {  	[tilespmem:s17], [sflag:$0x1] =	stream.indirect_vreg.gather [hbm4b:s1+s3], $0x80, v4, vm0, $0xb8;
	[tilespmem:$0x10200] =	vst v63  }
0x47: {  	s18 =	simm.s32 $0x6A00  }
0x48: {  	[tilespmem:s18], [sflag:$0x1] =	stream.indirect_vreg.gather [hbm4b:s5+s3], $0x80, v4, vm0, $0xb8;
	[tilespmem:$0x10200] =	vst v63  }
0x49: {  	s19 =	simm.s32 $0x7200  }
0x4a: {  	[tilespmem:s19], [sflag:$0x1] =	stream.indirect_vreg.gather [hbm4b:s1+s3], $0x80, v3, vm0, $0xb8;
	[tilespmem:$0x10200] =	vst v63  }
0x4b: {  	s20 =	simm.s32 $0x7A00  }
0x4c: {  	[tilespmem:s20], [sflag:$0x1] =	stream.indirect_vreg.gather [hbm4b:s5+s3], $0x80, v3, vm0, $0xb8;
	[tilespmem:$0x10200] =	vst v63  }
0x4d: {  	v3 =	vld [tilespmem:$0x40];
	_ =	sdelay $0x4  }
0x4e: {  	v36 =	vshll.u32 v3, $0x2  }
0x4f: {  	v3 =	vand.u32 $0x7, v3;
	v4 =	vand.u32 $0xFFFFFFE0, v36  }
0x50: {  	v3 =	vor.u32 v3, v4  }
0x51: {  	v4 =	vperm.xlane v3, v0;
	_ =	sdelay $0x1  }
0x52: {  	v4 =	vadd.s32 v1, v4;
	_ =	sdelay $0x1  }
0x53: {  	v3 =	vperm.xlane v3, v2;
	_ =	sdelay $0x1  }
0x54: {  	s21 =	simm.s32 $0x8200;
	v3 =	vadd.s32 v1, v3  }
0x55: {  	[tilespmem:s21], [sflag:$0x1] =	stream.indirect_vreg.gather [hbm4b:s1+s3], $0x80, v4, vm0, $0xb8;
	[tilespmem:$0x10200] =	vst v63  }
0x56: {  	s22 =	simm.s32 $0x8A00  }
0x57: {  	[tilespmem:s22], [sflag:$0x1] =	stream.indirect_vreg.gather [hbm4b:s5+s3], $0x80, v4, vm0, $0xb8;
	[tilespmem:$0x10200] =	vst v63  }
0x58: {  	s23 =	simm.s32 $0x9200  }
0x59: {  	[tilespmem:s23], [sflag:$0x1] =	stream.indirect_vreg.gather [hbm4b:s1+s3], $0x80, v3, vm0, $0xb8;
	[tilespmem:$0x10200] =	vst v63  }
0x5a: {  	s25 =	simm.s32 $0x9A00  }
0x5b: {  	[tilespmem:s25], [sflag:$0x1] =	stream.indirect_vreg.gather [hbm4b:s5+s3], $0x80, v3, vm0, $0xb8;
	[tilespmem:$0x10200] =	vst v63  }
0x5c: {  	v3 =	vld [tilespmem:$0x50];
	_ =	sdelay $0x4  }
0x5d: {  	v37 =	vshll.u32 v3, $0x2  }
0x5e: {  	v3 =	vand.u32 $0x7, v3;
	v4 =	vand.u32 $0xFFFFFFE0, v37  }
0x5f: {  	v3 =	vor.u32 v3, v4  }
0x60: {  	v4 =	vperm.xlane v3, v0;
	_ =	sdelay $0x1  }
0x61: {  	v4 =	vadd.s32 v1, v4;
	_ =	sdelay $0x1  }
0x62: {  	v3 =	vperm.xlane v3, v2;
	_ =	sdelay $0x1  }
0x63: {  	s26 =	simm.s32 $0xA200;
	v3 =	vadd.s32 v1, v3  }
0x64: {  	[tilespmem:s26], [sflag:$0x1] =	stream.indirect_vreg.gather [hbm4b:s1+s3], $0x80, v4, vm0, $0xb8;
	[tilespmem:$0x10200] =	vst v63  }
0x65: {  	s28 =	simm.s32 $0xAA00  }
0x66: {  	[tilespmem:s28], [sflag:$0x1] =	stream.indirect_vreg.gather [hbm4b:s5+s3], $0x80, v4, vm0, $0xb8;
	[tilespmem:$0x10200] =	vst v63  }
0x67: {  	s29 =	simm.s32 $0xB200  }
0x68: {  	[tilespmem:s29], [sflag:$0x1] =	stream.indirect_vreg.gather [hbm4b:s1+s3], $0x80, v3, vm0, $0xb8;
	[tilespmem:$0x10200] =	vst v63  }
0x69: {  	s30 =	simm.s32 $0xBA00  }
0x6a: {  	[tilespmem:s30], [sflag:$0x1] =	stream.indirect_vreg.gather [hbm4b:s5+s3], $0x80, v3, vm0, $0xb8;
	[tilespmem:$0x10200] =	vst v63  }
0x6b: {  	v3 =	vld [tilespmem:$0x60];
	_ =	sdelay $0x4  }
0x6c: {  	v38 =	vshll.u32 v3, $0x2  }
0x6d: {  	v3 =	vand.u32 $0x7, v3;
	v4 =	vand.u32 $0xFFFFFFE0, v38  }
0x6e: {  	v3 =	vor.u32 v3, v4  }
0x6f: {  	v4 =	vperm.xlane v3, v0;
	_ =	sdelay $0x1  }
0x70: {  	v4 =	vadd.s32 v1, v4;
	_ =	sdelay $0x1  }
0x71: {  	v3 =	vperm.xlane v3, v2;
	_ =	sdelay $0x1  }
0x72: {  	s31 =	simm.s32 $0xC200;
	v3 =	vadd.s32 v1, v3  }
0x73: {  	[tilespmem:s31], [sflag:$0x1] =	stream.indirect_vreg.gather [hbm4b:s1+s3], $0x80, v4, vm0, $0xb8;
	[tilespmem:$0x10200] =	vst v63  }
0x74: {  	s0 =	simm.s32 $0xCA00  }
0x75: {  	[tilespmem:s0], [sflag:$0x1] =	stream.indirect_vreg.gather [hbm4b:s5+s3], $0x80, v4, vm0, $0xb8;
	[tilespmem:$0x10200] =	vst v63  }
0x76: {  	s13 =	simm.s32 $0xD200  }
0x77: {  	[tilespmem:s13], [sflag:$0x1] =	stream.indirect_vreg.gather [hbm4b:s1+s3], $0x80, v3, vm0, $0xb8;
	[tilespmem:$0x10200] =	vst v63  }
0x78: {  	s14 =	simm.s32 $0xDA00  }
0x79: {  	[tilespmem:s14], [sflag:$0x1] =	stream.indirect_vreg.gather [hbm4b:s5+s3], $0x80, v3, vm0, $0xb8;
	[tilespmem:$0x10200] =	vst v63  }
0x7a: {  	v3 =	vld [tilespmem:$0x70];
	_ =	sdelay $0x4  }
0x7b: {  	v39 =	vshll.u32 v3, $0x2  }
0x7c: {  	v3 =	vand.u32 $0x7, v3;
	v4 =	vand.u32 $0xFFFFFFE0, v39  }
0x7d: {  	v3 =	vor.u32 v3, v4  }
0x7e: {  	v4 =	vperm.xlane v3, v0;
	_ =	sdelay $0x1  }
0x7f: {  	v4 =	vadd.s32 v1, v4;
	_ =	sdelay $0x1  }
0x80: {  	v3 =	vperm.xlane v3, v2;
	_ =	sdelay $0x1  }
0x81: {  	s17 =	simm.s32 $0xE200;
	v3 =	vadd.s32 v1, v3  }
0x82: {  	[tilespmem:s17], [sflag:$0x1] =	stream.indirect_vreg.gather [hbm4b:s1+s3], $0x80, v4, vm0, $0xb8;
	[tilespmem:$0x10200] =	vst v63  }
0x83: {  	s18 =	simm.s32 $0xEA00  }
0x84: {  	[tilespmem:s18], [sflag:$0x1] =	stream.indirect_vreg.gather [hbm4b:s5+s3], $0x80, v4, vm0, $0xb8;
	[tilespmem:$0x10200] =	vst v63  }
0x85: {  	s19 =	simm.s32 $0xF200  }
0x86: {  	[tilespmem:s19], [sflag:$0x1] =	stream.indirect_vreg.gather [hbm4b:s1+s3], $0x80, v3, vm0, $0xb8;
	[tilespmem:$0x10200] =	vst v63  }
0x87: {  	s20 =	simm.s32 $0xFA00  }
0x88: {  	[tilespmem:s20], [sflag:$0x1] =	stream.indirect_vreg.gather [hbm4b:s5+s3], $0x80, v3, vm0, $0xb8;
	[tilespmem:$0x10200] =	vst v63  }
0x89: {  	_ =	swait.ge [sflag:s15], $0x10000  }
0x8a: {  	[sflag:s15] =	ssyncset.done $0x0  }
0x8b: {  	s21 =	rddreg [dreg:$0x8];
	[sflag:s15] =	ssyncadd.s32 $0xFFFF0000  }
0x8c: {  	[hbm4b:s21+s3] =	stream.linear.scatter [tilespmem:s24], [sflag:$0x2], $0x10000, $0x38;
	[tilespmem:$0x10200] =	vst v63  }
0x8d: {  	_ =	swait.ge [sflag:s7], $0x10000  }
0x8e: {  	[sflag:s7] =	ssyncset.done $0x0  }
0x8f: {  	[sflag:s7] =	ssyncadd.s32 $0xFFFF0000  }
0x90: {  	v3 =	vld [tilespmem:$0x80];
	_ =	sdelay $0x4  }
0x91: {  	v40 =	vshll.u32 v3, $0x2  }
0x92: {  	v3 =	vand.u32 $0x7, v3;
	v4 =	vand.u32 $0xFFFFFFE0, v40  }
0x93: {  	v3 =	vor.u32 v3, v4  }
0x94: {  	v4 =	vperm.xlane v3, v0;
	_ =	sdelay $0x1  }
0x95: {  	v4 =	vadd.s32 v1, v4;
	_ =	sdelay $0x1  }
0x96: {  	v3 =	vperm.xlane v3, v2;
	_ =	sdelay $0x1  }
0x97: {  	v3 =	vadd.s32 v1, v3  }
0x98: {  	[tilespmem:s24], [sflag:$0x1] =	stream.indirect_vreg.gather [hbm4b:s1+s3], $0x80, v4, vm0, $0xb8;
	[tilespmem:$0x10200] =	vst v63  }
0x99: {  	s2 =	simm.s32 $0xA00  }
0x9a: {  	[tilespmem:s2], [sflag:$0x1] =	stream.indirect_vreg.gather [hbm4b:s5+s3], $0x80, v4, vm0, $0xb8;
	[tilespmem:$0x10200] =	vst v63  }
0x9b: {  	s4 =	simm.s32 $0x1200  }
0x9c: {  	[tilespmem:s4], [sflag:$0x1] =	stream.indirect_vreg.gather [hbm4b:s1+s3], $0x80, v3, vm0, $0xb8;
	[tilespmem:$0x10200] =	vst v63  }
0x9d: {  	s17 =	simm.s32 $0x1A00  }
0x9e: {  	[tilespmem:s17], [sflag:$0x1] =	stream.indirect_vreg.gather [hbm4b:s5+s3], $0x80, v3, vm0, $0xb8;
	[tilespmem:$0x10200] =	vst v63  }
0x9f: {  	v3 =	vld [tilespmem:$0x90];
	_ =	sdelay $0x4  }
0xa0: {  	v41 =	vshll.u32 v3, $0x2  }
0xa1: {  	v3 =	vand.u32 $0x7, v3;
	v4 =	vand.u32 $0xFFFFFFE0, v41  }
0xa2: {  	v3 =	vor.u32 v3, v4  }
0xa3: {  	v4 =	vperm.xlane v3, v0;
	_ =	sdelay $0x1  }
0xa4: {  	v4 =	vadd.s32 v1, v4;
	_ =	sdelay $0x1  }
0xa5: {  	v3 =	vperm.xlane v3, v2;
	_ =	sdelay $0x1  }
0xa6: {  	s8 =	simm.s32 $0x2200;
	v3 =	vadd.s32 v1, v3  }
0xa7: {  	[tilespmem:s8], [sflag:$0x1] =	stream.indirect_vreg.gather [hbm4b:s1+s3], $0x80, v4, vm0, $0xb8;
	[tilespmem:$0x10200] =	vst v63  }
0xa8: {  	s9 =	simm.s32 $0x2A00  }
0xa9: {  	[tilespmem:s9], [sflag:$0x1] =	stream.indirect_vreg.gather [hbm4b:s5+s3], $0x80, v4, vm0, $0xb8;
	[tilespmem:$0x10200] =	vst v63  }
0xaa: {  	s11 =	simm.s32 $0x3200  }
0xab: {  	[tilespmem:s11], [sflag:$0x1] =	stream.indirect_vreg.gather [hbm4b:s1+s3], $0x80, v3, vm0, $0xb8;
	[tilespmem:$0x10200] =	vst v63  }
0xac: {  	s12 =	simm.s32 $0x3A00  }
0xad: {  	[tilespmem:s12], [sflag:$0x1] =	stream.indirect_vreg.gather [hbm4b:s5+s3], $0x80, v3, vm0, $0xb8;
	[tilespmem:$0x10200] =	vst v63  }
0xae: {  	v3 =	vld [tilespmem:$0xA0];
	_ =	sdelay $0x4  }
0xaf: {  	v42 =	vshll.u32 v3, $0x2  }
0xb0: {  	v3 =	vand.u32 $0x7, v3;
	v4 =	vand.u32 $0xFFFFFFE0, v42  }
0xb1: {  	v3 =	vor.u32 v3, v4  }
0xb2: {  	v4 =	vperm.xlane v3, v0;
	_ =	sdelay $0x1  }
0xb3: {  	v4 =	vadd.s32 v1, v4;
	_ =	sdelay $0x1  }
0xb4: {  	v3 =	vperm.xlane v3, v2;
	_ =	sdelay $0x1  }
0xb5: {  	s12 =	simm.s32 $0x4200;
	v3 =	vadd.s32 v1, v3  }
0xb6: {  	[tilespmem:s12], [sflag:$0x1] =	stream.indirect_vreg.gather [hbm4b:s1+s3], $0x80, v4, vm0, $0xb8;
	[tilespmem:$0x10200] =	vst v63  }
0xb7: {  	s13 =	simm.s32 $0x4A00  }
0xb8: {  	[tilespmem:s13], [sflag:$0x1] =	stream.indirect_vreg.gather [hbm4b:s5+s3], $0x80, v4, vm0, $0xb8;
	[tilespmem:$0x10200] =	vst v63  }
0xb9: {  	s14 =	simm.s32 $0x5200  }
0xba: {  	[tilespmem:s14], [sflag:$0x1] =	stream.indirect_vreg.gather [hbm4b:s1+s3], $0x80, v3, vm0, $0xb8;
	[tilespmem:$0x10200] =	vst v63  }
0xbb: {  	s18 =	simm.s32 $0x5A00  }
0xbc: {  	[tilespmem:s18], [sflag:$0x1] =	stream.indirect_vreg.gather [hbm4b:s5+s3], $0x80, v3, vm0, $0xb8;
	[tilespmem:$0x10200] =	vst v63  }
0xbd: {  	v3 =	vld [tilespmem:$0xB0];
	_ =	sdelay $0x4  }
0xbe: {  	v43 =	vshll.u32 v3, $0x2  }
0xbf: {  	v3 =	vand.u32 $0x7, v3;
	v4 =	vand.u32 $0xFFFFFFE0, v43  }
0xc0: {  	v3 =	vor.u32 v3, v4  }
0xc1: {  	v4 =	vperm.xlane v3, v0;
	_ =	sdelay $0x1  }
0xc2: {  	v4 =	vadd.s32 v1, v4;
	_ =	sdelay $0x1  }
0xc3: {  	v3 =	vperm.xlane v3, v2;
	_ =	sdelay $0x1  }
0xc4: {  	s19 =	simm.s32 $0x6200;
	v3 =	vadd.s32 v1, v3  }
0xc5: {  	[tilespmem:s19], [sflag:$0x1] =	stream.indirect_vreg.gather [hbm4b:s1+s3], $0x80, v4, vm0, $0xb8;
	[tilespmem:$0x10200] =	vst v63  }
0xc6: {  	s20 =	simm.s32 $0x6A00  }
0xc7: {  	[tilespmem:s20], [sflag:$0x1] =	stream.indirect_vreg.gather [hbm4b:s5+s3], $0x80, v4, vm0, $0xb8;
	[tilespmem:$0x10200] =	vst v63  }
0xc8: {  	s21 =	simm.s32 $0x7200  }
0xc9: {  	[tilespmem:s21], [sflag:$0x1] =	stream.indirect_vreg.gather [hbm4b:s1+s3], $0x80, v3, vm0, $0xb8;
	[tilespmem:$0x10200] =	vst v63  }
0xca: {  	s10 =	simm.s32 $0x7A00  }
0xcb: {  	[tilespmem:s10], [sflag:$0x1] =	stream.indirect_vreg.gather [hbm4b:s5+s3], $0x80, v3, vm0, $0xb8;
	[tilespmem:$0x10200] =	vst v63  }
0xcc: {  	v3 =	vld [tilespmem:$0xC0];
	_ =	sdelay $0x4  }
0xcd: {  	v44 =	vshll.u32 v3, $0x2  }
0xce: {  	v3 =	vand.u32 $0x7, v3;
	v4 =	vand.u32 $0xFFFFFFE0, v44  }
0xcf: {  	v3 =	vor.u32 v3, v4  }
0xd0: {  	v4 =	vperm.xlane v3, v0;
	_ =	sdelay $0x1  }
0xd1: {  	v4 =	vadd.s32 v1, v4;
	_ =	sdelay $0x1  }
0xd2: {  	v3 =	vperm.xlane v3, v2;
	_ =	sdelay $0x1  }
0xd3: {  	s0 =	simm.s32 $0x8200;
	v3 =	vadd.s32 v1, v3  }
0xd4: {  	[tilespmem:s0], [sflag:$0x1] =	stream.indirect_vreg.gather [hbm4b:s1+s3], $0x80, v4, vm0, $0xb8;
	[tilespmem:$0x10200] =	vst v63  }
0xd5: {  	s2 =	simm.s32 $0x8A00  }
0xd6: {  	[tilespmem:s2], [sflag:$0x1] =	stream.indirect_vreg.gather [hbm4b:s5+s3], $0x80, v4, vm0, $0xb8;
	[tilespmem:$0x10200] =	vst v63  }
0xd7: {  	s4 =	simm.s32 $0x9200  }
0xd8: {  	[tilespmem:s4], [sflag:$0x1] =	stream.indirect_vreg.gather [hbm4b:s1+s3], $0x80, v3, vm0, $0xb8;
	[tilespmem:$0x10200] =	vst v63  }
0xd9: {  	s11 =	simm.s32 $0x9A00  }
0xda: {  	[tilespmem:s11], [sflag:$0x1] =	stream.indirect_vreg.gather [hbm4b:s5+s3], $0x80, v3, vm0, $0xb8;
	[tilespmem:$0x10200] =	vst v63  }
0xdb: {  	v3 =	vld [tilespmem:$0xD0];
	_ =	sdelay $0x4  }
0xdc: {  	v45 =	vshll.u32 v3, $0x2  }
0xdd: {  	v3 =	vand.u32 $0x7, v3;
	v4 =	vand.u32 $0xFFFFFFE0, v45  }
0xde: {  	v3 =	vor.u32 v3, v4  }
0xdf: {  	v4 =	vperm.xlane v3, v0;
	_ =	sdelay $0x1  }
0xe0: {  	v4 =	vadd.s32 v1, v4;
	_ =	sdelay $0x1  }
0xe1: {  	v3 =	vperm.xlane v3, v2;
	_ =	sdelay $0x1  }
0xe2: {  	s8 =	simm.s32 $0xA200;
	v3 =	vadd.s32 v1, v3  }
0xe3: {  	[tilespmem:s8], [sflag:$0x1] =	stream.indirect_vreg.gather [hbm4b:s1+s3], $0x80, v4, vm0, $0xb8;
	[tilespmem:$0x10200] =	vst v63  }
0xe4: {  	s9 =	simm.s32 $0xAA00  }
0xe5: {  	[tilespmem:s9], [sflag:$0x1] =	stream.indirect_vreg.gather [hbm4b:s5+s3], $0x80, v4, vm0, $0xb8;
	[tilespmem:$0x10200] =	vst v63  }
0xe6: {  	s10 =	simm.s32 $0xB200  }
0xe7: {  	[tilespmem:s10], [sflag:$0x1] =	stream.indirect_vreg.gather [hbm4b:s1+s3], $0x80, v3, vm0, $0xb8;
	[tilespmem:$0x10200] =	vst v63  }
0xe8: {  	s23 =	simm.s32 $0xBA00  }
0xe9: {  	[tilespmem:s23], [sflag:$0x1] =	stream.indirect_vreg.gather [hbm4b:s5+s3], $0x80, v3, vm0, $0xb8;
	[tilespmem:$0x10200] =	vst v63  }
0xea: {  	v3 =	vld [tilespmem:$0xE0];
	_ =	sdelay $0x4  }
0xeb: {  	v46 =	vshll.u32 v3, $0x2  }
0xec: {  	v3 =	vand.u32 $0x7, v3;
	v4 =	vand.u32 $0xFFFFFFE0, v46  }
0xed: {  	v3 =	vor.u32 v3, v4  }
0xee: {  	v4 =	vperm.xlane v3, v0;
	_ =	sdelay $0x1  }
0xef: {  	v4 =	vadd.s32 v1, v4;
	_ =	sdelay $0x1  }
0xf0: {  	v3 =	vperm.xlane v3, v2;
	_ =	sdelay $0x1  }
0xf1: {  	s29 =	simm.s32 $0xC200;
	v3 =	vadd.s32 v1, v3  }
0xf2: {  	[tilespmem:s29], [sflag:$0x1] =	stream.indirect_vreg.gather [hbm4b:s1+s3], $0x80, v4, vm0, $0xb8;
	[tilespmem:$0x10200] =	vst v63  }
0xf3: {  	s30 =	simm.s32 $0xCA00  }
0xf4: {  	[tilespmem:s30], [sflag:$0x1] =	stream.indirect_vreg.gather [hbm4b:s5+s3], $0x80, v4, vm0, $0xb8;
	[tilespmem:$0x10200] =	vst v63  }
0xf5: {  	s31 =	simm.s32 $0xD200  }
0xf6: {  	[tilespmem:s31], [sflag:$0x1] =	stream.indirect_vreg.gather [hbm4b:s1+s3], $0x80, v3, vm0, $0xb8;
	[tilespmem:$0x10200] =	vst v63  }
0xf7: {  	s22 =	simm.s32 $0xDA00  }
0xf8: {  	[tilespmem:s22], [sflag:$0x1] =	stream.indirect_vreg.gather [hbm4b:s5+s3], $0x80, v3, vm0, $0xb8;
	[tilespmem:$0x10200] =	vst v63  }
0xf9: {  	v3 =	vld [tilespmem:$0xF0];
	_ =	sdelay $0x4  }
0xfa: {  	v47 =	vshll.u32 v3, $0x2  }
0xfb: {  	v3 =	vand.u32 $0x7, v3;
	v4 =	vand.u32 $0xFFFFFFE0, v47  }
0xfc: {  	v3 =	vor.u32 v3, v4  }
0xfd: {  	v4 =	vperm.xlane v3, v0;
	_ =	sdelay $0x1  }
0xfe: {  	v4 =	vadd.s32 v1, v4;
	_ =	sdelay $0x1  }
0xff: {  	v3 =	vperm.xlane v3, v2;
	_ =	sdelay $0x1  }
0x100: {  	s31 =	simm.s32 $0xE200;
	v3 =	vadd.s32 v1, v3  }
0x101: {  	[tilespmem:s31], [sflag:$0x1] =	stream.indirect_vreg.gather [hbm4b:s1+s3], $0x80, v4, vm0, $0xb8;
	[tilespmem:$0x10200] =	vst v63  }
0x102: {  	s26 =	simm.s32 $0xEA00  }
0x103: {  	[tilespmem:s26], [sflag:$0x1] =	stream.indirect_vreg.gather [hbm4b:s5+s3], $0x80, v4, vm0, $0xb8;
	[tilespmem:$0x10200] =	vst v63  }
0x104: {  	s28 =	simm.s32 $0xF200  }
0x105: {  	[tilespmem:s28], [sflag:$0x1] =	stream.indirect_vreg.gather [hbm4b:s1+s3], $0x80, v3, vm0, $0xb8;
	[tilespmem:$0x10200] =	vst v63  }
0x106: {  	s25 =	simm.s32 $0xFA00  }
0x107: {  	[tilespmem:s25], [sflag:$0x1] =	stream.indirect_vreg.gather [hbm4b:s5+s3], $0x80, v3, vm0, $0xb8;
	[tilespmem:$0x10200] =	vst v63  }
0x108: {  	_ =	swait.ge [sflag:s15], $0x10000  }
0x109: {  	[sflag:s15] =	ssyncset.done $0x0  }
0x10a: {  	s22 =	rddreg [dreg:$0x5];
	[sflag:s15] =	ssyncadd.s32 $0xFFFF0000  }
0x10b: {  	[hbm4b:s22+s3] =	stream.linear.scatter [tilespmem:s24], [sflag:$0x2], $0x10000, $0x38;
	[tilespmem:$0x10200] =	vst v63  }
0x10c: {  	_ =	swait.ge [sflag:s7], $0x10000  }
0x10d: {  	[sflag:s7] =	ssyncset.done $0x0  }
0x10e: {  	[sflag:s7] =	ssyncadd.s32 $0xFFFF0000  }
0x10f: {  	v3 =	vld [tilespmem:$0x100];
	_ =	sdelay $0x4  }
0x110: {  	v48 =	vshll.u32 v3, $0x2  }
0x111: {  	v3 =	vand.u32 $0x7, v3;
	v4 =	vand.u32 $0xFFFFFFE0, v48  }
0x112: {  	v3 =	vor.u32 v3, v4  }
0x113: {  	v4 =	vperm.xlane v3, v0;
	_ =	sdelay $0x1  }
0x114: {  	v4 =	vadd.s32 v1, v4;
	_ =	sdelay $0x1  }
0x115: {  	v3 =	vperm.xlane v3, v2;
	_ =	sdelay $0x1  }
0x116: {  	v3 =	vadd.s32 v1, v3  }
0x117: {  	[tilespmem:s24], [sflag:$0x1] =	stream.indirect_vreg.gather [hbm4b:s1+s3], $0x80, v4, vm0, $0xb8;
	[tilespmem:$0x10200] =	vst v63  }
0x118: {  	s25 =	simm.s32 $0xA00  }
0x119: {  	[tilespmem:s25], [sflag:$0x1] =	stream.indirect_vreg.gather [hbm4b:s5+s3], $0x80, v4, vm0, $0xb8;
	[tilespmem:$0x10200] =	vst v63  }
0x11a: {  	s26 =	simm.s32 $0x1200  }
0x11b: {  	[tilespmem:s26], [sflag:$0x1] =	stream.indirect_vreg.gather [hbm4b:s1+s3], $0x80, v3, vm0, $0xb8;
	[tilespmem:$0x10200] =	vst v63  }
0x11c: {  	_ = 	snop  }
0x11d: {  	[tilespmem:s17], [sflag:$0x1] =	stream.indirect_vreg.gather [hbm4b:s5+s3], $0x80, v3, vm0, $0xb8;
	[tilespmem:$0x10200] =	vst v63  }
0x11e: {  	v3 =	vld [tilespmem:$0x110];
	_ =	sdelay $0x4  }
0x11f: {  	v49 =	vshll.u32 v3, $0x2  }
0x120: {  	v3 =	vand.u32 $0x7, v3;
	v4 =	vand.u32 $0xFFFFFFE0, v49  }
0x121: {  	v3 =	vor.u32 v3, v4  }
0x122: {  	v4 =	vperm.xlane v3, v0;
	_ =	sdelay $0x1  }
0x123: {  	v4 =	vadd.s32 v1, v4;
	_ =	sdelay $0x1  }
0x124: {  	v3 =	vperm.xlane v3, v2;
	_ =	sdelay $0x1  }
0x125: {  	s28 =	simm.s32 $0x2200;
	v3 =	vadd.s32 v1, v3  }
0x126: {  	[tilespmem:s28], [sflag:$0x1] =	stream.indirect_vreg.gather [hbm4b:s1+s3], $0x80, v4, vm0, $0xb8;
	[tilespmem:$0x10200] =	vst v63  }
0x127: {  	s31 =	simm.s32 $0x2A00  }
0x128: {  	[tilespmem:s31], [sflag:$0x1] =	stream.indirect_vreg.gather [hbm4b:s5+s3], $0x80, v4, vm0, $0xb8;
	[tilespmem:$0x10200] =	vst v63  }
0x129: {  	s26 =	simm.s32 $0x3200  }
0x12a: {  	[tilespmem:s26], [sflag:$0x1] =	stream.indirect_vreg.gather [hbm4b:s1+s3], $0x80, v3, vm0, $0xb8;
	[tilespmem:$0x10200] =	vst v63  }
0x12b: {  	s28 =	simm.s32 $0x3A00  }
0x12c: {  	[tilespmem:s28], [sflag:$0x1] =	stream.indirect_vreg.gather [hbm4b:s5+s3], $0x80, v3, vm0, $0xb8;
	[tilespmem:$0x10200] =	vst v63  }
0x12d: {  	v3 =	vld [tilespmem:$0x120];
	_ =	sdelay $0x4  }
0x12e: {  	v50 =	vshll.u32 v3, $0x2  }
0x12f: {  	v3 =	vand.u32 $0x7, v3;
	v4 =	vand.u32 $0xFFFFFFE0, v50  }
0x130: {  	v3 =	vor.u32 v3, v4  }
0x131: {  	v4 =	vperm.xlane v3, v0;
	_ =	sdelay $0x1  }
0x132: {  	v4 =	vadd.s32 v1, v4;
	_ =	sdelay $0x1  }
0x133: {  	v3 =	vperm.xlane v3, v2;
	_ =	sdelay $0x1  }
0x134: {  	v3 =	vadd.s32 v1, v3  }
0x135: {  	[tilespmem:s12], [sflag:$0x1] =	stream.indirect_vreg.gather [hbm4b:s1+s3], $0x80, v4, vm0, $0xb8;
	[tilespmem:$0x10200] =	vst v63  }
0x136: {  	_ = 	snop  }
0x137: {  	[tilespmem:s13], [sflag:$0x1] =	stream.indirect_vreg.gather [hbm4b:s5+s3], $0x80, v4, vm0, $0xb8;
	[tilespmem:$0x10200] =	vst v63  }
0x138: {  	_ = 	snop  }
0x139: {  	[tilespmem:s14], [sflag:$0x1] =	stream.indirect_vreg.gather [hbm4b:s1+s3], $0x80, v3, vm0, $0xb8;
	[tilespmem:$0x10200] =	vst v63  }
0x13a: {  	_ = 	snop  }
0x13b: {  	[tilespmem:s18], [sflag:$0x1] =	stream.indirect_vreg.gather [hbm4b:s5+s3], $0x80, v3, vm0, $0xb8;
	[tilespmem:$0x10200] =	vst v63  }
0x13c: {  	v3 =	vld [tilespmem:$0x130];
	_ =	sdelay $0x4  }
0x13d: {  	v51 =	vshll.u32 v3, $0x2  }
0x13e: {  	v3 =	vand.u32 $0x7, v3;
	v4 =	vand.u32 $0xFFFFFFE0, v51  }
0x13f: {  	v3 =	vor.u32 v3, v4  }
0x140: {  	v4 =	vperm.xlane v3, v0;
	_ =	sdelay $0x1  }
0x141: {  	v4 =	vadd.s32 v1, v4;
	_ =	sdelay $0x1  }
0x142: {  	v3 =	vperm.xlane v3, v2;
	_ =	sdelay $0x1  }
0x143: {  	v3 =	vadd.s32 v1, v3  }
0x144: {  	[tilespmem:s19], [sflag:$0x1] =	stream.indirect_vreg.gather [hbm4b:s1+s3], $0x80, v4, vm0, $0xb8;
	[tilespmem:$0x10200] =	vst v63  }
0x145: {  	_ = 	snop  }
0x146: {  	[tilespmem:s20], [sflag:$0x1] =	stream.indirect_vreg.gather [hbm4b:s5+s3], $0x80, v4, vm0, $0xb8;
	[tilespmem:$0x10200] =	vst v63  }
0x147: {  	_ = 	snop  }
0x148: {  	[tilespmem:s21], [sflag:$0x1] =	stream.indirect_vreg.gather [hbm4b:s1+s3], $0x80, v3, vm0, $0xb8;
	[tilespmem:$0x10200] =	vst v63  }
0x149: {  	s31 =	simm.s32 $0x7A00  }
0x14a: {  	[tilespmem:s31], [sflag:$0x1] =	stream.indirect_vreg.gather [hbm4b:s5+s3], $0x80, v3, vm0, $0xb8;
	[tilespmem:$0x10200] =	vst v63  }
0x14b: {  	v3 =	vld [tilespmem:$0x140];
	_ =	sdelay $0x4  }
0x14c: {  	v52 =	vshll.u32 v3, $0x2  }
0x14d: {  	v3 =	vand.u32 $0x7, v3;
	v4 =	vand.u32 $0xFFFFFFE0, v52  }
0x14e: {  	v3 =	vor.u32 v3, v4  }
0x14f: {  	v4 =	vperm.xlane v3, v0;
	_ =	sdelay $0x1  }
0x150: {  	v4 =	vadd.s32 v1, v4;
	_ =	sdelay $0x1  }
0x151: {  	v3 =	vperm.xlane v3, v2;
	_ =	sdelay $0x1  }
0x152: {  	v3 =	vadd.s32 v1, v3  }
0x153: {  	[tilespmem:s0], [sflag:$0x1] =	stream.indirect_vreg.gather [hbm4b:s1+s3], $0x80, v4, vm0, $0xb8;
	[tilespmem:$0x10200] =	vst v63  }
0x154: {  	_ = 	snop  }
0x155: {  	[tilespmem:s2], [sflag:$0x1] =	stream.indirect_vreg.gather [hbm4b:s5+s3], $0x80, v4, vm0, $0xb8;
	[tilespmem:$0x10200] =	vst v63  }
0x156: {  	_ = 	snop  }
0x157: {  	[tilespmem:s4], [sflag:$0x1] =	stream.indirect_vreg.gather [hbm4b:s1+s3], $0x80, v3, vm0, $0xb8;
	[tilespmem:$0x10200] =	vst v63  }
0x158: {  	_ = 	snop  }
0x159: {  	[tilespmem:s11], [sflag:$0x1] =	stream.indirect_vreg.gather [hbm4b:s5+s3], $0x80, v3, vm0, $0xb8;
	[tilespmem:$0x10200] =	vst v63  }
0x15a: {  	v3 =	vld [tilespmem:$0x150];
	_ =	sdelay $0x4  }
0x15b: {  	v53 =	vshll.u32 v3, $0x2  }
0x15c: {  	v3 =	vand.u32 $0x7, v3;
	v4 =	vand.u32 $0xFFFFFFE0, v53  }
0x15d: {  	v3 =	vor.u32 v3, v4  }
0x15e: {  	v4 =	vperm.xlane v3, v0;
	_ =	sdelay $0x1  }
0x15f: {  	v4 =	vadd.s32 v1, v4;
	_ =	sdelay $0x1  }
0x160: {  	v3 =	vperm.xlane v3, v2;
	_ =	sdelay $0x1  }
0x161: {  	v3 =	vadd.s32 v1, v3  }
0x162: {  	[tilespmem:s8], [sflag:$0x1] =	stream.indirect_vreg.gather [hbm4b:s1+s3], $0x80, v4, vm0, $0xb8;
	[tilespmem:$0x10200] =	vst v63  }
0x163: {  	_ = 	snop  }
0x164: {  	[tilespmem:s9], [sflag:$0x1] =	stream.indirect_vreg.gather [hbm4b:s5+s3], $0x80, v4, vm0, $0xb8;
	[tilespmem:$0x10200] =	vst v63  }
0x165: {  	_ = 	snop  }
0x166: {  	[tilespmem:s10], [sflag:$0x1] =	stream.indirect_vreg.gather [hbm4b:s1+s3], $0x80, v3, vm0, $0xb8;
	[tilespmem:$0x10200] =	vst v63  }
0x167: {  	s26 =	simm.s32 $0xBA00  }
0x168: {  	[tilespmem:s26], [sflag:$0x1] =	stream.indirect_vreg.gather [hbm4b:s5+s3], $0x80, v3, vm0, $0xb8;
	[tilespmem:$0x10200] =	vst v63  }
0x169: {  	v3 =	vld [tilespmem:$0x160];
	_ =	sdelay $0x4  }
0x16a: {  	v54 =	vshll.u32 v3, $0x2  }
0x16b: {  	v3 =	vand.u32 $0x7, v3;
	v4 =	vand.u32 $0xFFFFFFE0, v54  }
0x16c: {  	v3 =	vor.u32 v3, v4  }
0x16d: {  	v4 =	vperm.xlane v3, v0;
	_ =	sdelay $0x1  }
0x16e: {  	v4 =	vadd.s32 v1, v4;
	_ =	sdelay $0x1  }
0x16f: {  	v3 =	vperm.xlane v3, v2;
	_ =	sdelay $0x1  }
0x170: {  	s28 =	simm.s32 $0xC200;
	v3 =	vadd.s32 v1, v3  }
0x171: {  	[tilespmem:s28], [sflag:$0x1] =	stream.indirect_vreg.gather [hbm4b:s1+s3], $0x80, v4, vm0, $0xb8;
	[tilespmem:$0x10200] =	vst v63  }
0x172: {  	s31 =	simm.s32 $0xCA00  }
0x173: {  	[tilespmem:s31], [sflag:$0x1] =	stream.indirect_vreg.gather [hbm4b:s5+s3], $0x80, v4, vm0, $0xb8;
	[tilespmem:$0x10200] =	vst v63  }
0x174: {  	s26 =	simm.s32 $0xD200  }
0x175: {  	[tilespmem:s26], [sflag:$0x1] =	stream.indirect_vreg.gather [hbm4b:s1+s3], $0x80, v3, vm0, $0xb8;
	[tilespmem:$0x10200] =	vst v63  }
0x176: {  	s26 =	simm.s32 $0xDA00  }
0x177: {  	[tilespmem:s26], [sflag:$0x1] =	stream.indirect_vreg.gather [hbm4b:s5+s3], $0x80, v3, vm0, $0xb8;
	[tilespmem:$0x10200] =	vst v63  }
0x178: {  	v3 =	vld [tilespmem:$0x170];
	_ =	sdelay $0x4  }
0x179: {  	v55 =	vshll.u32 v3, $0x2  }
0x17a: {  	v3 =	vand.u32 $0x7, v3;
	v4 =	vand.u32 $0xFFFFFFE0, v55  }
0x17b: {  	v3 =	vor.u32 v3, v4  }
0x17c: {  	v4 =	vperm.xlane v3, v0;
	_ =	sdelay $0x1  }
0x17d: {  	v4 =	vadd.s32 v1, v4;
	_ =	sdelay $0x1  }
0x17e: {  	v3 =	vperm.xlane v3, v2;
	_ =	sdelay $0x1  }
0x17f: {  	s29 =	simm.s32 $0xE200;
	v3 =	vadd.s32 v1, v3  }
0x180: {  	[tilespmem:s29], [sflag:$0x1] =	stream.indirect_vreg.gather [hbm4b:s1+s3], $0x80, v4, vm0, $0xb8;
	[tilespmem:$0x10200] =	vst v63  }
0x181: {  	s23 =	simm.s32 $0xEA00  }
0x182: {  	[tilespmem:s23], [sflag:$0x1] =	stream.indirect_vreg.gather [hbm4b:s5+s3], $0x80, v4, vm0, $0xb8;
	[tilespmem:$0x10200] =	vst v63  }
0x183: {  	s30 =	simm.s32 $0xF200  }
0x184: {  	[tilespmem:s30], [sflag:$0x1] =	stream.indirect_vreg.gather [hbm4b:s1+s3], $0x80, v3, vm0, $0xb8;
	[tilespmem:$0x10200] =	vst v63  }
0x185: {  	s30 =	simm.s32 $0xFA00  }
0x186: {  	[tilespmem:s30], [sflag:$0x1] =	stream.indirect_vreg.gather [hbm4b:s5+s3], $0x80, v3, vm0, $0xb8;
	[tilespmem:$0x10200] =	vst v63  }
0x187: {  	_ =	swait.ge [sflag:s15], $0x10000  }
0x188: {  	[sflag:s15] =	ssyncset.done $0x0  }
0x189: {  	s16 =	rddreg [dreg:$0x6];
	[sflag:s15] =	ssyncadd.s32 $0xFFFF0000  }
0x18a: {  	[hbm4b:s16+s3] =	stream.linear.scatter [tilespmem:s24], [sflag:$0x2], $0x10000, $0x38;
	[tilespmem:$0x10200] =	vst v63  }
0x18b: {  	_ =	swait.ge [sflag:s7], $0x10000  }
0x18c: {  	[sflag:s7] =	ssyncset.done $0x0  }
0x18d: {  	[sflag:s7] =	ssyncadd.s32 $0xFFFF0000  }
0x18e: {  	v3 =	vld [tilespmem:$0x180];
	_ =	sdelay $0x4  }
0x18f: {  	v56 =	vshll.u32 v3, $0x2  }
0x190: {  	v3 =	vand.u32 $0x7, v3;
	v4 =	vand.u32 $0xFFFFFFE0, v56  }
0x191: {  	v3 =	vor.u32 v3, v4  }
0x192: {  	v4 =	vperm.xlane v3, v0;
	_ =	sdelay $0x1  }
0x193: {  	v4 =	vadd.s32 v1, v4;
	_ =	sdelay $0x1  }
0x194: {  	v3 =	vperm.xlane v3, v2;
	_ =	sdelay $0x1  }
0x195: {  	v3 =	vadd.s32 v1, v3  }
0x196: {  	[tilespmem:s24], [sflag:$0x1] =	stream.indirect_vreg.gather [hbm4b:s1+s3], $0x80, v4, vm0, $0xb8;
	[tilespmem:$0x10200] =	vst v63  }
0x197: {  	s25 =	simm.s32 $0xA00  }
0x198: {  	[tilespmem:s25], [sflag:$0x1] =	stream.indirect_vreg.gather [hbm4b:s5+s3], $0x80, v4, vm0, $0xb8;
	[tilespmem:$0x10200] =	vst v63  }
0x199: {  	s22 =	simm.s32 $0x1200  }
0x19a: {  	[tilespmem:s22], [sflag:$0x1] =	stream.indirect_vreg.gather [hbm4b:s1+s3], $0x80, v3, vm0, $0xb8;
	[tilespmem:$0x10200] =	vst v63  }
0x19b: {  	s17 =	simm.s32 $0x1A00  }
0x19c: {  	[tilespmem:s17], [sflag:$0x1] =	stream.indirect_vreg.gather [hbm4b:s5+s3], $0x80, v3, vm0, $0xb8;
	[tilespmem:$0x10200] =	vst v63  }
0x19d: {  	v3 =	vld [tilespmem:$0x190];
	_ =	sdelay $0x4  }
0x19e: {  	v57 =	vshll.u32 v3, $0x2  }
0x19f: {  	v3 =	vand.u32 $0x7, v3;
	v4 =	vand.u32 $0xFFFFFFE0, v57  }
0x1a0: {  	v3 =	vor.u32 v3, v4  }
0x1a1: {  	v4 =	vperm.xlane v3, v0;
	_ =	sdelay $0x1  }
0x1a2: {  	v4 =	vadd.s32 v1, v4;
	_ =	sdelay $0x1  }
0x1a3: {  	v3 =	vperm.xlane v3, v2;
	_ =	sdelay $0x1  }
0x1a4: {  	s17 =	simm.s32 $0x2200;
	v3 =	vadd.s32 v1, v3  }
0x1a5: {  	[tilespmem:s17], [sflag:$0x1] =	stream.indirect_vreg.gather [hbm4b:s1+s3], $0x80, v4, vm0, $0xb8;
	[tilespmem:$0x10200] =	vst v63  }
0x1a6: {  	s22 =	simm.s32 $0x2A00  }
0x1a7: {  	[tilespmem:s22], [sflag:$0x1] =	stream.indirect_vreg.gather [hbm4b:s5+s3], $0x80, v4, vm0, $0xb8;
	[tilespmem:$0x10200] =	vst v63  }
0x1a8: {  	s25 =	simm.s32 $0x3200  }
0x1a9: {  	[tilespmem:s25], [sflag:$0x1] =	stream.indirect_vreg.gather [hbm4b:s1+s3], $0x80, v3, vm0, $0xb8;
	[tilespmem:$0x10200] =	vst v63  }
0x1aa: {  	s17 =	simm.s32 $0x3A00  }
0x1ab: {  	[tilespmem:s17], [sflag:$0x1] =	stream.indirect_vreg.gather [hbm4b:s5+s3], $0x80, v3, vm0, $0xb8;
	[tilespmem:$0x10200] =	vst v63  }
0x1ac: {  	v3 =	vld [tilespmem:$0x1A0];
	_ =	sdelay $0x4  }
0x1ad: {  	v58 =	vshll.u32 v3, $0x2  }
0x1ae: {  	v3 =	vand.u32 $0x7, v3;
	v4 =	vand.u32 $0xFFFFFFE0, v58  }
0x1af: {  	v3 =	vor.u32 v3, v4  }
0x1b0: {  	v4 =	vperm.xlane v3, v0;
	_ =	sdelay $0x1  }
0x1b1: {  	v4 =	vadd.s32 v1, v4;
	_ =	sdelay $0x1  }
0x1b2: {  	v3 =	vperm.xlane v3, v2;
	_ =	sdelay $0x1  }
0x1b3: {  	s12 =	simm.s32 $0x4200;
	v3 =	vadd.s32 v1, v3  }
0x1b4: {  	[tilespmem:s12], [sflag:$0x1] =	stream.indirect_vreg.gather [hbm4b:s1+s3], $0x80, v4, vm0, $0xb8;
	[tilespmem:$0x10200] =	vst v63  }
0x1b5: {  	s13 =	simm.s32 $0x4A00  }
0x1b6: {  	[tilespmem:s13], [sflag:$0x1] =	stream.indirect_vreg.gather [hbm4b:s5+s3], $0x80, v4, vm0, $0xb8;
	[tilespmem:$0x10200] =	vst v63  }
0x1b7: {  	s14 =	simm.s32 $0x5200  }
0x1b8: {  	[tilespmem:s14], [sflag:$0x1] =	stream.indirect_vreg.gather [hbm4b:s1+s3], $0x80, v3, vm0, $0xb8;
	[tilespmem:$0x10200] =	vst v63  }
0x1b9: {  	s18 =	simm.s32 $0x5A00  }
0x1ba: {  	[tilespmem:s18], [sflag:$0x1] =	stream.indirect_vreg.gather [hbm4b:s5+s3], $0x80, v3, vm0, $0xb8;
	[tilespmem:$0x10200] =	vst v63  }
0x1bb: {  	v3 =	vld [tilespmem:$0x1B0];
	_ =	sdelay $0x4  }
0x1bc: {  	v59 =	vshll.u32 v3, $0x2  }
0x1bd: {  	v3 =	vand.u32 $0x7, v3;
	v4 =	vand.u32 $0xFFFFFFE0, v59  }
0x1be: {  	v3 =	vor.u32 v3, v4  }
0x1bf: {  	v4 =	vperm.xlane v3, v0;
	_ =	sdelay $0x1  }
0x1c0: {  	v4 =	vadd.s32 v1, v4;
	_ =	sdelay $0x1  }
0x1c1: {  	v3 =	vperm.xlane v3, v2;
	_ =	sdelay $0x1  }
0x1c2: {  	s19 =	simm.s32 $0x6200;
	v3 =	vadd.s32 v1, v3  }
0x1c3: {  	[tilespmem:s19], [sflag:$0x1] =	stream.indirect_vreg.gather [hbm4b:s1+s3], $0x80, v4, vm0, $0xb8;
	[tilespmem:$0x10200] =	vst v63  }
0x1c4: {  	s20 =	simm.s32 $0x6A00  }
0x1c5: {  	[tilespmem:s20], [sflag:$0x1] =	stream.indirect_vreg.gather [hbm4b:s5+s3], $0x80, v4, vm0, $0xb8;
	[tilespmem:$0x10200] =	vst v63  }
0x1c6: {  	s21 =	simm.s32 $0x7200  }
0x1c7: {  	[tilespmem:s21], [sflag:$0x1] =	stream.indirect_vreg.gather [hbm4b:s1+s3], $0x80, v3, vm0, $0xb8;
	[tilespmem:$0x10200] =	vst v63  }
0x1c8: {  	s21 =	simm.s32 $0x7A00  }
0x1c9: {  	[tilespmem:s21], [sflag:$0x1] =	stream.indirect_vreg.gather [hbm4b:s5+s3], $0x80, v3, vm0, $0xb8;
	[tilespmem:$0x10200] =	vst v63  }
0x1ca: {  	v3 =	vld [tilespmem:$0x1C0];
	_ =	sdelay $0x4  }
0x1cb: {  	v60 =	vshll.u32 v3, $0x2  }
0x1cc: {  	v3 =	vand.u32 $0x7, v3;
	v4 =	vand.u32 $0xFFFFFFE0, v60  }
0x1cd: {  	v3 =	vor.u32 v3, v4  }
0x1ce: {  	v4 =	vperm.xlane v3, v0;
	_ =	sdelay $0x1  }
0x1cf: {  	v4 =	vadd.s32 v1, v4;
	_ =	sdelay $0x1  }
0x1d0: {  	v3 =	vperm.xlane v3, v2;
	_ =	sdelay $0x1  }
0x1d1: {  	s0 =	simm.s32 $0x8200;
	v3 =	vadd.s32 v1, v3  }
0x1d2: {  	[tilespmem:s0], [sflag:$0x1] =	stream.indirect_vreg.gather [hbm4b:s1+s3], $0x80, v4, vm0, $0xb8;
	[tilespmem:$0x10200] =	vst v63  }
0x1d3: {  	s2 =	simm.s32 $0x8A00  }
0x1d4: {  	[tilespmem:s2], [sflag:$0x1] =	stream.indirect_vreg.gather [hbm4b:s5+s3], $0x80, v4, vm0, $0xb8;
	[tilespmem:$0x10200] =	vst v63  }
0x1d5: {  	s4 =	simm.s32 $0x9200  }
0x1d6: {  	[tilespmem:s4], [sflag:$0x1] =	stream.indirect_vreg.gather [hbm4b:s1+s3], $0x80, v3, vm0, $0xb8;
	[tilespmem:$0x10200] =	vst v63  }
0x1d7: {  	s11 =	simm.s32 $0x9A00  }
0x1d8: {  	[tilespmem:s11], [sflag:$0x1] =	stream.indirect_vreg.gather [hbm4b:s5+s3], $0x80, v3, vm0, $0xb8;
	[tilespmem:$0x10200] =	vst v63  }
0x1d9: {  	v3 =	vld [tilespmem:$0x1D0];
	_ =	sdelay $0x4  }
0x1da: {  	v61 =	vshll.u32 v3, $0x2  }
0x1db: {  	v3 =	vand.u32 $0x7, v3;
	v4 =	vand.u32 $0xFFFFFFE0, v61  }
0x1dc: {  	v3 =	vor.u32 v3, v4  }
0x1dd: {  	v4 =	vperm.xlane v3, v0;
	_ =	sdelay $0x1  }
0x1de: {  	v4 =	vadd.s32 v1, v4;
	_ =	sdelay $0x1  }
0x1df: {  	v3 =	vperm.xlane v3, v2;
	_ =	sdelay $0x1  }
0x1e0: {  	s8 =	simm.s32 $0xA200;
	v3 =	vadd.s32 v1, v3  }
0x1e1: {  	[tilespmem:s8], [sflag:$0x1] =	stream.indirect_vreg.gather [hbm4b:s1+s3], $0x80, v4, vm0, $0xb8;
	[tilespmem:$0x10200] =	vst v63  }
0x1e2: {  	s9 =	simm.s32 $0xAA00  }
0x1e3: {  	[tilespmem:s9], [sflag:$0x1] =	stream.indirect_vreg.gather [hbm4b:s5+s3], $0x80, v4, vm0, $0xb8;
	[tilespmem:$0x10200] =	vst v63  }
0x1e4: {  	s10 =	simm.s32 $0xB200  }
0x1e5: {  	[tilespmem:s10], [sflag:$0x1] =	stream.indirect_vreg.gather [hbm4b:s1+s3], $0x80, v3, vm0, $0xb8;
	[tilespmem:$0x10200] =	vst v63  }
0x1e6: {  	s22 =	simm.s32 $0xBA00  }
0x1e7: {  	[tilespmem:s22], [sflag:$0x1] =	stream.indirect_vreg.gather [hbm4b:s5+s3], $0x80, v3, vm0, $0xb8;
	[tilespmem:$0x10200] =	vst v63  }
0x1e8: {  	v3 =	vld [tilespmem:$0x1E0];
	_ =	sdelay $0x4  }
0x1e9: {  	v62 =	vshll.u32 v3, $0x2  }
0x1ea: {  	v3 =	vand.u32 $0x7, v3;
	v4 =	vand.u32 $0xFFFFFFE0, v62  }
0x1eb: {  	v3 =	vor.u32 v3, v4  }
0x1ec: {  	v4 =	vperm.xlane v3, v0;
	_ =	sdelay $0x1  }
0x1ed: {  	v4 =	vadd.s32 v1, v4;
	_ =	sdelay $0x1  }
0x1ee: {  	v3 =	vperm.xlane v3, v2;
	_ =	sdelay $0x1  }
0x1ef: {  	s28 =	simm.s32 $0xC200;
	v3 =	vadd.s32 v1, v3  }
0x1f0: {  	[tilespmem:s28], [sflag:$0x1] =	stream.indirect_vreg.gather [hbm4b:s1+s3], $0x80, v4, vm0, $0xb8;
	[tilespmem:$0x10200] =	vst v63  }
0x1f1: {  	s31 =	simm.s32 $0xCA00  }
0x1f2: {  	[tilespmem:s31], [sflag:$0x1] =	stream.indirect_vreg.gather [hbm4b:s5+s3], $0x80, v4, vm0, $0xb8;
	[tilespmem:$0x10200] =	vst v63  }
0x1f3: {  	s25 =	simm.s32 $0xD200  }
0x1f4: {  	[tilespmem:s25], [sflag:$0x1] =	stream.indirect_vreg.gather [hbm4b:s1+s3], $0x80, v3, vm0, $0xb8;
	[tilespmem:$0x10200] =	vst v63  }
0x1f5: {  	s28 =	simm.s32 $0xDA00  }
0x1f6: {  	[tilespmem:s28], [sflag:$0x1] =	stream.indirect_vreg.gather [hbm4b:s5+s3], $0x80, v3, vm0, $0xb8;
	[tilespmem:$0x10200] =	vst v63  }
0x1f7: {  	v3 =	vld [tilespmem:$0x1F0];
	_ =	sdelay $0x4  }
0x1f8: {  	v63 =	vshll.u32 v3, $0x2  }
0x1f9: {  	v3 =	vand.u32 $0x7, v3;
	v4 =	vand.u32 $0xFFFFFFE0, v63  }
0x1fa: {  	v3 =	vor.u32 v3, v4  }
0x1fb: {  	v4 =	vperm.xlane v3, v0;
	_ =	sdelay $0x1  }
0x1fc: {  	v4 =	vadd.s32 v1, v4;
	_ =	sdelay $0x1  }
0x1fd: {  	v3 =	vperm.xlane v3, v2;
	_ =	sdelay $0x1  }
0x1fe: {  	s26 =	simm.s32 $0xE200;
	v3 =	vadd.s32 v1, v3  }
0x1ff: {  	[tilespmem:s26], [sflag:$0x1] =	stream.indirect_vreg.gather [hbm4b:s1+s3], $0x80, v4, vm0, $0xb8;
	[tilespmem:$0x10200] =	vst v63  }
0x200: {  	s23 =	simm.s32 $0xEA00  }
0x201: {  	[tilespmem:s23], [sflag:$0x1] =	stream.indirect_vreg.gather [hbm4b:s5+s3], $0x80, v4, vm0, $0xb8;
	[tilespmem:$0x10200] =	vst v63  }
0x202: {  	s29 =	simm.s32 $0xF200  }
0x203: {  	[tilespmem:s29], [sflag:$0x1] =	stream.indirect_vreg.gather [hbm4b:s1+s3], $0x80, v3, vm0, $0xb8;
	[tilespmem:$0x10200] =	vst v63  }
0x204: {  	s30 =	simm.s32 $0xFA00  }
0x205: {  	[tilespmem:s30], [sflag:$0x1] =	stream.indirect_vreg.gather [hbm4b:s5+s3], $0x80, v3, vm0, $0xb8;
	[tilespmem:$0x10200] =	vst v63  }
0x206: {  	_ =	swait.ge [sflag:s15], $0x10000  }
0x207: {  	p0 =	sne.s32 s6, $0x1;
	[sflag:s15] =	ssyncset.done $0x0  }
.Ltmp0:
0x208: {  	s31 =	rddreg [dreg:$0x7];
	[sflag:s15] =	ssyncadd.s32 $0xFFFF0000;
	(pc) =	sbr.rel @p0 .LBB2_1-.Ltmp0, $4  }
0x209: {  	[hbm4b:s31+s3] =	stream.linear.scatter [tilespmem:s24], [sflag:$0x2], $0x10000, $0x38;
	[tilespmem:$0x10200] =	vst v63  }
0x20a: {  	_ =	swait.ge [sflag:s7], $0x10000  }
0x20b: {  	[sflag:s7] =	ssyncset.done $0x0  }
0x20c: {  	s6 =	sadd.s32 $0xFFFFFFFF, s6;
	[sflag:s7] =	ssyncadd.s32 $0xFFFF0000  }
0x20d: {  	_ =	sfence.sel $0x180000  }
0x20e: {  	[bflag:$0x0] =	sbarrier.arrive $0xFFFF  }
0x20f: {  	_ =	strace $0x90000047  }
0x210: {  	s0 =	stileid.u32;
	[bflag:$0x2] =	sbarrier.arrive $0xFFFF  }
0x211: {  	p0 =	sne.s32 s0, $0x0;
	s0 =	rddreg [dreg:$0x3]  }
0x212: {  	s0 =	sadd.s32 @!p0 $0x100000, s0  }
0x213: {  	[sflag:s0] =	ssyncadd.tile.s32 @!p0 $0x1;
	_ =	shalt  }
.Lfunc_end2:
_tile_overlayer_lowered:
.L_overlay_start_2:
0x214: {  	(tag) =	ssettag $0x2  }
0x215: {  	s0 =	rddreg [dreg:$0x0];
	s2 =	stileid.u32  }
0x216: {  	s1 =	rddreg [dreg:$0x1];
	p0 =	sne.s32 s2, $0x0  }
0x217: {  	s3 =	rddreg [dreg:$0x2];
	[bflag:$0x3] =	sbarrier.arrive $0xFFFF;
	s2 =	simm.s32 @!p0 $0x1C02  }
0x218: {  	[timem:s3], [sflag:s2] =	dma.local @!p0 [hbm:s0], s1  }
0x219: {  	s0 =	simm.s32 @!p0 $0x2  }
0x21a: {  	_ =	swait.ge @!p0 [sflag:s0], s1  }
0x21b: {  	s1 =	ssub.s32 @!p0 $0x0, s1;
	[sflag:s0] =	ssyncset.done @!p0 $0x0  }
0x21c: {  	[sflag:s0] =	ssyncadd.s32 @!p0 s1  }
0x21d: {  	[bflag:$0x3] =	sbarrier.arrive $0xFFFF  }
0x21e: {  	_ =	shalt  }

</sc_bundles>
